<compile_context>
chip_gen: v7x
topology: tpu7x:2x2x1
jax: 0.10.2.dev20260603
libtpu: 0.0.44.dev20260713+nightly
codegen_flags: <defaults>
</compile_context>

<pallas_src>
import functools

import jax
import jax.numpy as jnp
from jax import lax
from jax.experimental import pallas as pl
from jax.experimental.pallas import tpu as pltpu
from jax.experimental.pallas import tpu_sc as plsc

B = 4
N = 8192
NPOINT = 1024
RADIUS = 0.2
NSAMPLE = 32
D_FEAT = 16
IN_CH = 19
EPS = 1e-5

SUB = 8
NL = N // SUB
CH_PAD = 32
S_BLK = 128


def _fps_kernel(xyz_ref, newxyz_ref):
    x = xyz_ref[:, 0]
    y = xyz_ref[:, 1]
    z = xyz_ref[:, 2]
    row = jax.lax.broadcasted_iota(jnp.int32, (B, SUB, NL), 1)
    col = jax.lax.broadcasted_iota(jnp.int32, (B, SUB, NL), 2)
    flat = row * NL + col

    slot = jax.lax.broadcasted_iota(jnp.int32, (1, 1, NPOINT), 2)

    xyzv = xyz_ref[...]

    def body(i, carry):
        dist, far, acc = carry
        sel = flat == far
        csum = jnp.sum(jnp.where(sel[:, None], xyzv, 0.0), axis=(2, 3))
        cstack = csum[:, :, None]
        cx = csum[:, 0:1, None]
        cy = csum[:, 1:2, None]
        cz = csum[:, 2:3, None]
        acc = jnp.where(slot == i, cstack, acc)
        dx = x - cx
        dy = y - cy
        dz = z - cz
        d = dx * dx + (dy * dy + dz * dz)
        dist = jnp.minimum(dist, d)
        m = jnp.max(dist, axis=(1, 2), keepdims=True)
        far = jnp.min(jnp.where(dist == m, flat, N), axis=(1, 2), keepdims=True)
        return dist, far, acc

    dist0 = jnp.full((B, SUB, NL), 1e10, jnp.float32)
    far0 = jnp.zeros((B, 1, 1), jnp.int32)
    acc0 = jnp.zeros((B, 3, NPOINT), jnp.float32)
    _, _, acc = jax.lax.fori_loop(0, NPOINT, body, (dist0, far0, acc0))
    newxyz_ref[...] = acc


def _fps(xyz):
    xyz4 = xyz.reshape(B, 3, SUB, NL)
    return pl.pallas_call(
        _fps_kernel,
        out_shape=jax.ShapeDtypeStruct((B, 3, NPOINT), jnp.float32),
    )(xyz4)


NW = 32
SCALE = float(2 ** 29)
INV_SCALE = float(2 ** -29)
S_PER_W = (B * NPOINT) // NW
NCHUNK = N // 16
R2 = RADIUS * RADIUS


def _bq_sc_kernel(xb_hbm, cb_hbm, d2_hbm, s2_hbm, table_hbm, out_hbm,
                  xv, yv, zv, d2v, cxv, cyv, czv, s2v, idxbuf, gidx, srow, rows, packed, sem):
    cid = lax.axis_index("c")
    sid = lax.axis_index("s")
    wid = sid * 2 + cid
    b = wid // 8
    s0 = (wid % 8) * S_PER_W

    pltpu.sync_copy(xb_hbm.at[pl.ds((b * 3 + 0) * N, N)], xv)
    pltpu.sync_copy(xb_hbm.at[pl.ds((b * 3 + 1) * N, N)], yv)
    pltpu.sync_copy(xb_hbm.at[pl.ds((b * 3 + 2) * N, N)], zv)
    pltpu.sync_copy(d2_hbm.at[pl.ds(b * N, N)], d2v)
    pltpu.sync_copy(cb_hbm.at[pl.ds((b * 3 + 0) * NPOINT + s0, S_PER_W)], cxv.at[pl.ds(0, S_PER_W)])
    pltpu.sync_copy(cb_hbm.at[pl.ds((b * 3 + 1) * NPOINT + s0, S_PER_W)], cyv.at[pl.ds(0, S_PER_W)])
    pltpu.sync_copy(cb_hbm.at[pl.ds((b * 3 + 2) * NPOINT + s0, S_PER_W)], czv.at[pl.ds(0, S_PER_W)])
    pltpu.sync_copy(s2_hbm.at[pl.ds(b * NPOINT + s0, S_PER_W)], s2v.at[pl.ds(0, S_PER_W)])

    lane = lax.iota(jnp.int32, 16)
    ones = jnp.ones((16,), jnp.int32)
    zeros = jnp.zeros((16,), jnp.int32)

    def per_centroid(s, _):
        cx = cxv[pl.ds(s, 16)][0]
        cy = cyv[pl.ds(s, 16)][0]
        cz = czv[pl.ds(s, 16)][0]
        s2 = s2v[pl.ds(s, 16)][0]

        def chunk_mask(base):
            m1 = xv[pl.ds(base, 16)] * cx
            m2 = yv[pl.ds(base, 16)] * cy
            m3 = zv[pl.ds(base, 16)] * cz
            q1 = (m1 * SCALE).astype(jnp.int32)
            q2 = (m2 * SCALE).astype(jnp.int32)
            q3 = (m3 * SCALE).astype(jnp.int32)
            mm = ((q1 + q2) + q3).astype(jnp.float32) * INV_SCALE
            sq = (s2 + d2v[pl.ds(base, 16)]) - 2.0 * mm
            return jnp.logical_not(sq > R2)

        def cond(carry):
            ck, cnt = carry
            return (cnt < NSAMPLE) & (ck < NCHUNK // 2)

        def body(carry):
            ck, cnt = carry
            base = ck * 32
            c = cnt
            for u in range(2):
                m = chunk_mask(base + u * 16)
                t = plsc.all_reduce_population_count(m)[0]
                inc = plsc.cumsum(jnp.where(m, ones, zeros))
                plsc.store_scatter(idxbuf, [jnp.minimum(c + inc - 1, 127)],
                                   base + u * 16 + lane, mask=m)
                c = c + t
            return ck + 1, c

        _, cnt = lax.while_loop(cond, body, (0, 0))
        first = idxbuf[pl.ds(0, 16)][0]
        goff = b * N
        full = jnp.full((16,), True, jnp.bool_)
        for h in range(2):
            ids = idxbuf[pl.ds(h * 16, 16)]
            ids = jnp.where(lane + h * 16 < cnt, ids, first)
            plsc.store_scatter(gidx, [s * NSAMPLE + h * 16 + lane], ids + goff, mask=full)
        return 0

    lax.fori_loop(0, S_PER_W, per_centroid, 0)

    row0 = (b * NPOINT + s0) * NSAMPLE

    def gather_grp(j, _):
        g0 = j * 128
        for t in range(8):
            gv = gidx[pl.ds(g0 + t * 16, 16)]
            plsc.store_scatter(srow, [t * 16 + lane], gv // 4, mask=jnp.full((16,), True, jnp.bool_))
        pltpu.async_copy(table_hbm.at[srow], rows, sem).wait()

        def extract(r, _):
            off = (gidx[pl.ds(g0 + r, 16)][0] % 4) * CH_PAD
            packed[pl.ds(r * CH_PAD, 16)] = rows[r, pl.ds(off, 16)]
            packed[pl.ds(r * CH_PAD + 16, 16)] = rows[r, pl.ds(off + 16, 16)]
            return 0

        lax.fori_loop(0, 128, extract, 0)
        pltpu.sync_copy(packed, out_hbm.at[pl.ds((row0 + g0) * CH_PAD, 128 * CH_PAD)])
        return 0

    lax.fori_loop(0, (S_PER_W * NSAMPLE) // 128, gather_grp, 0)


def _ball_query_gather(xyz, points, new_xyz):
    xt = xyz.transpose(0, 2, 1)
    ct = new_xyz.transpose(0, 2, 1)
    dst2 = jnp.sum(xt ** 2, -1)
    src2 = jnp.sum(ct ** 2, -1)
    xb = lax.optimization_barrier(xyz.astype(jnp.bfloat16)).astype(jnp.float32)
    cb = lax.optimization_barrier(new_xyz.astype(jnp.bfloat16)).astype(jnp.float32)
    table = jnp.concatenate(
        [xt, points.transpose(0, 2, 1),
         jnp.zeros((B, N, CH_PAD - IN_CH), jnp.float32)], axis=-1).reshape(B * N, CH_PAD)

    grouped = pl.kernel(
        _bq_sc_kernel,
        out_type=jax.ShapeDtypeStruct((B * NPOINT * NSAMPLE * CH_PAD,), jnp.float32),
        mesh=plsc.VectorSubcoreMesh(core_axis_name="c", subcore_axis_name="s"),
        compiler_params=pltpu.CompilerParams(needs_layout_passes=False),
        scratch_types=[
            pltpu.VMEM((N,), jnp.float32),
            pltpu.VMEM((N,), jnp.float32),
            pltpu.VMEM((N,), jnp.float32),
            pltpu.VMEM((N,), jnp.float32),
            pltpu.VMEM((S_PER_W + 16,), jnp.float32),
            pltpu.VMEM((S_PER_W + 16,), jnp.float32),
            pltpu.VMEM((S_PER_W + 16,), jnp.float32),
            pltpu.VMEM((S_PER_W + 16,), jnp.float32),
            pltpu.VMEM((128,), jnp.int32),
            pltpu.VMEM((S_PER_W * NSAMPLE + 16,), jnp.int32),
            pltpu.VMEM((128,), jnp.int32),
            pltpu.VMEM((128, 128), jnp.float32),
            pltpu.VMEM((128 * CH_PAD,), jnp.float32),
            pltpu.SemaphoreType.DMA,
        ],
    )(xb.reshape(-1), cb.reshape(-1), dst2.reshape(-1), src2.reshape(-1),
      table.reshape(B * N // 4, 4 * CH_PAD))
    return grouped.reshape(B, NPOINT, NSAMPLE, CH_PAD)


def _mlp_kernel(g_ref, sub_ref, w1_ref, w2_ref, w3_ref,
                p1_ref, p2_ref, p3_ref, out_ref):
    g = g_ref[0]
    sub = sub_ref[0]
    x = (g - sub[:, None, :]).reshape(S_BLK * NSAMPLE, CH_PAD)

    def layer(h, w_ref, p_ref):
        mm = jnp.dot(h.astype(jnp.bfloat16), w_ref[...],
                     preferred_element_type=jnp.float32)
        p = p_ref[...]
        hh = (mm + p[0:1] - p[1:2]) / p[2:3] * p[3:4] + p[4:5]
        return jnp.maximum(hh, 0.0)

    h1 = layer(x, w1_ref, p1_ref)
    h2 = layer(h1, w2_ref, p2_ref)
    h3 = layer(h2, w3_ref, p3_ref)
    out_ref[0] = jnp.max(h3.reshape(S_BLK, NSAMPLE, 64), axis=1)


def _mlp_max(grouped, sub, weights, stats):
    w1, w2, w3 = weights
    p1, p2, p3 = stats
    grid = (B, NPOINT // S_BLK)
    return pl.pallas_call(
        _mlp_kernel,
        grid=grid,
        in_specs=[
            pl.BlockSpec((1, S_BLK, NSAMPLE, CH_PAD), lambda b, s: (b, s, 0, 0)),
            pl.BlockSpec((1, S_BLK, CH_PAD), lambda b, s: (b, s, 0)),
            pl.BlockSpec(w1.shape, lambda b, s: (0, 0)),
            pl.BlockSpec(w2.shape, lambda b, s: (0, 0)),
            pl.BlockSpec(w3.shape, lambda b, s: (0, 0)),
            pl.BlockSpec(p1.shape, lambda b, s: (0, 0)),
            pl.BlockSpec(p2.shape, lambda b, s: (0, 0)),
            pl.BlockSpec(p3.shape, lambda b, s: (0, 0)),
        ],
        out_specs=pl.BlockSpec((1, S_BLK, 64), lambda b, s: (b, s, 0)),
        out_shape=jax.ShapeDtypeStruct((B, NPOINT, 64), jnp.float32),
    )(grouped, sub, w1, w2, w3, p1, p2, p3)


def kernel(xyz, points, conv_w0, conv_b0, bn_g0, bn_b0, bn_rm0, bn_rv0,
           conv_w1, conv_b1, bn_g1, bn_b1, bn_rm1, bn_rv1,
           conv_w2, conv_b2, bn_g2, bn_b2, bn_rm2, bn_rv2):
    new_xyz = _fps(xyz)
    grouped = _ball_query_gather(xyz, points, new_xyz)
    sub = jnp.concatenate(
        [new_xyz.transpose(0, 2, 1),
         jnp.zeros((B, NPOINT, CH_PAD - 3), jnp.float32)], axis=-1)

    def prep_w(w, in_ch):
        wm = w[:, :, 0, 0].T
        pad = jnp.zeros((CH_PAD - in_ch, wm.shape[1]), wm.dtype) if wm.shape[0] < CH_PAD else None
        if pad is not None:
            wm = jnp.concatenate([wm, pad], axis=0)
        return wm.astype(jnp.bfloat16)

    w1 = prep_w(conv_w0, IN_CH)
    w2 = conv_w1[:, :, 0, 0].T.astype(jnp.bfloat16)
    w3 = conv_w2[:, :, 0, 0].T.astype(jnp.bfloat16)
    p1 = jnp.stack([conv_b0, bn_rm0, jnp.sqrt(bn_rv0 + EPS), bn_g0, bn_b0])
    p2 = jnp.stack([conv_b1, bn_rm1, jnp.sqrt(bn_rv1 + EPS), bn_g1, bn_b1])
    p3 = jnp.stack([conv_b2, bn_rm2, jnp.sqrt(bn_rv2 + EPS), bn_g2, bn_b2])

    out = _mlp_max(grouped, sub, (w1, w2, w3), (p1, p2, p3))
    return new_xyz, out.transpose(0, 2, 1)

# --- scband reference (transcript-rebuilt; emitter-appended) ---
"""Pipeline reference for scband-point-net-set-abstraction-7825430413396 (READ-ONLY COPY).

The authoritative reference and input builder live on the scoring server;
editing this copy changes nothing except your own understanding.
"""

import jax, jax.numpy as jnp
import numpy as np

B = 4
N = 8192
NPOINT = 1024
RADIUS = 0.2
NSAMPLE = 32
D_FEAT = 16
IN_CH = 19
MLP = [32, 32, 64]
EPS = 1e-5


def square_distance(src, dst):
    return jnp.sum(src ** 2, -1)[:, :, None] + jnp.sum(dst ** 2, -1)[:, None, :] - 2.0 * jnp.matmul(src, dst.transpose(0, 2, 1))


def index_points(pts, idx):
    b = jnp.arange(pts.shape[0]).reshape((pts.shape[0],) + (1,) * (idx.ndim - 1))
    return pts[b, idx]


def farthest_point_sample(xyz, npoint):
    xyz = jax.lax.stop_gradient(xyz)
    Bb, Nn, _ = xyz.shape

    def body(i, carry):
        distance, farthest, centroids = carry
        centroids = centroids.at[:, i].set(farthest)
        centroid = xyz[jnp.arange(Bb), farthest][:, None, :]
        d = jnp.sum((xyz - centroid) ** 2, -1)
        distance = jnp.minimum(distance, d)
        farthest = jnp.argmax(distance, -1).astype(jnp.int32)
        return (distance, farthest, centroids)

    init = (jnp.full((Bb, Nn), 1e10, jnp.float32), jnp.zeros((Bb,), jnp.int32), jnp.zeros((Bb, npoint), jnp.int32))
    _, _, centroids = jax.lax.fori_loop(0, npoint, body, init)
    return centroids


def query_ball_point(radius, nsample, xyz, new_xyz):
    xyz = jax.lax.stop_gradient(xyz)
    new_xyz = jax.lax.stop_gradient(new_xyz)
    Bb, Nn, _ = xyz.shape
    S = new_xyz.shape[1]
    sqrdists = square_distance(new_xyz, xyz)
    group_idx = jnp.broadcast_to(jnp.arange(Nn, dtype=jnp.int32), (Bb, S, Nn))
    group_idx = jnp.where(sqrdists > radius ** 2, Nn, group_idx)
    group_idx = jnp.sort(group_idx, axis=-1)[:, :, :nsample]
    group_first = jnp.broadcast_to(group_idx[:, :, 0:1], group_idx.shape)
    group_idx = jnp.where(group_idx == Nn, group_first, group_idx)
    return group_idx


def setup_inputs(seed: int = 0):
    key = jax.random.key(seed)
    ks = jax.random.split(key, 8)
    inp = {}
    inp["xyz"] = jax.random.uniform(ks[0], (B, 3, N), dtype=jnp.float32)
    inp["points"] = jax.random.normal(ks[1], (B, D_FEAT, N), dtype=jnp.float32)
    last = IN_CH
    for i, oc in enumerate(MLP):
        inp["conv_w%d" % i] = jax.random.normal(ks[2 + i], (oc, last, 1, 1), dtype=jnp.float32) * (1.0 / np.sqrt(last))
        inp["conv_b%d" % i] = jnp.zeros((oc,), jnp.float32)
        inp["bn_g%d" % i] = jnp.ones((oc,), jnp.float32)
        inp["bn_b%d" % i] = jnp.zeros((oc,), jnp.float32)
        inp["bn_rm%d" % i] = jnp.zeros((oc,), jnp.float32)
        inp["bn_rv%d" % i] = jnp.ones((oc,), jnp.float32)
        last = oc
    return inp


def _forward(xyz, points, params, stats):
    x = xyz.transpose(0, 2, 1)
    p = points.transpose(0, 2, 1)
    fps_idx = farthest_point_sample(x, NPOINT)
    new_xyz = index_points(x, fps_idx)
    idx = query_ball_point(RADIUS, NSAMPLE, x, new_xyz)
    grouped_xyz = index_points(x, idx)
    grouped_xyz_norm = grouped_xyz - new_xyz[:, :, None, :]
    grouped_points = index_points(p, idx)
    new_points = jnp.concatenate([grouped_xyz_norm, grouped_points], -1)
    h = new_points.transpose(0, 3, 2, 1)
    for i in range(len(MLP)):
        w, bconv, g, beta = params[i]
        rm, rv = stats[i]
        h = jnp.einsum('bcns,oc->bons', h, w[:, :, 0, 0]) + bconv[None, :, None, None]
        h = (h - rm[None, :, None, None]) / jnp.sqrt(rv[None, :, None, None] + EPS) * g[None, :, None, None] + beta[None, :, None, None]
        h = jax.nn.relu(h)
    out = jnp.max(h, axis=2)
    return new_xyz.transpose(0, 2, 1), out


def reference(xyz, points, conv_w0, conv_b0, bn_g0, bn_b0, bn_rm0, bn_rv0, conv_w1, conv_b1, bn_g1, bn_b1, bn_rm1, bn_rv1, conv_w2, conv_b2, bn_g2, bn_b2, bn_rm2, bn_rv2):
    params = [(conv_w0, conv_b0, bn_g0, bn_b0), (conv_w1, conv_b1, bn_g1, bn_b1), (conv_w2, conv_b2, bn_g2, bn_b2)]
    stats = [(bn_rm0, bn_rv0), (bn_rm1, bn_rv1), (bn_rm2, bn_rv2)]
    return _forward(xyz, points, params, stats)

if __name__ == "__main__":
    import jax
    _d = setup_inputs()
    print(jax.jit(kernel)(*tuple(_d.values())))

</pallas_src>

<mosaic_0001>
#map = affine_map<(d0, d1) -> (0)>
#map1 = affine_map<(d0, d1) -> (0, 0)>
module attributes {stable_mosaic.version = 14 : i64} {
  func.func @_bq_sc_kernel(%arg0: i32, %arg1: i32, %arg2: memref<98304xf32, #tpu.memory_space<hbm>>, %arg3: memref<12288xf32, #tpu.memory_space<hbm>>, %arg4: memref<32768xf32, #tpu.memory_space<hbm>>, %arg5: memref<4096xf32, #tpu.memory_space<hbm>>, %arg6: memref<8192x128xf32, #tpu.memory_space<hbm>>, %arg7: memref<4194304xf32, #tpu.memory_space<hbm>>, %arg8: memref<8192xf32, #tpu.memory_space<vmem>>, %arg9: memref<8192xf32, #tpu.memory_space<vmem>>, %arg10: memref<8192xf32, #tpu.memory_space<vmem>>, %arg11: memref<8192xf32, #tpu.memory_space<vmem>>, %arg12: memref<144xf32, #tpu.memory_space<vmem>>, %arg13: memref<144xf32, #tpu.memory_space<vmem>>, %arg14: memref<144xf32, #tpu.memory_space<vmem>>, %arg15: memref<144xf32, #tpu.memory_space<vmem>>, %arg16: memref<128xi32, #tpu.memory_space<vmem>>, %arg17: memref<4112xi32, #tpu.memory_space<vmem>>, %arg18: memref<128xi32, #tpu.memory_space<vmem>>, %arg19: memref<128x128xf32, #tpu.memory_space<vmem>>, %arg20: memref<4096xf32, #tpu.memory_space<vmem>>, %arg21: memref<!tpu.dma_semaphore, #tpu.memory_space<semaphore_mem>>) attributes {dimension_semantics = [#tpu.dimension_semantics<core_parallel>, #tpu.dimension_semantics<subcore_parallel>], iteration_bounds = array<i64: 2, 16>, scalar_prefetch = 0 : i64, scratch_operands = 14 : i64, tpu.core_type = #tpu.core_type<sc_vector_subcore>, window_params = [{transform_indices = #map}, {transform_indices = #map}, {transform_indices = #map}, {transform_indices = #map}, {transform_indices = #map1}, {transform_indices = #map}]} {
    %mul3A = arith.constant 2 : i32
    %mul3A_0 = arith.muli %arg1, %mul3A : i32
    %add3A = arith.addi %mul3A_0, %arg0 : i32
    %jit3A = arith.constant 8 : i32
    %div3A = arith.divsi %add3A, %jit3A : i32
    %sign3A = arith.constant 0 : i32
    %sign3A_1 = arith.cmpi sgt, %add3A, %sign3A : i32
    %sign3A_2 = arith.extui %sign3A_1 : i1 to i32
    %sign3A_3 = arith.constant 0 : i32
    %sign3A_4 = arith.cmpi slt, %add3A, %sign3A_3 : i32
    %sign3A_5 = arith.extui %sign3A_4 : i1 to i32
    %sign3A_6 = arith.subi %sign3A_2, %sign3A_5 : i32
    %sign3A_7 = arith.constant 0 : i32
    %sign3A_8 = arith.cmpi sgt, %jit3A, %sign3A_7 : i32
    %sign3A_9 = arith.extui %sign3A_8 : i1 to i32
    %sign3A_10 = arith.constant 0 : i32
    %sign3A_11 = arith.cmpi slt, %jit3A, %sign3A_10 : i32
    %sign3A_12 = arith.extui %sign3A_11 : i1 to i32
    %sign3A_13 = arith.subi %sign3A_9, %sign3A_12 : i32
    %ne3A = arith.cmpi ne, %sign3A_6, %sign3A_13 : i32
    %rem3A = arith.remsi %add3A, %jit3A : i32
    %ne3A_14 = arith.constant 0 : i32
    %ne3A_15 = arith.cmpi ne, %rem3A, %ne3A_14 : i32
    %and3A = arith.andi %ne3A, %ne3A_15 : i1
    %sub3A = arith.constant 1 : i32
    %sub3A_16 = arith.subi %div3A, %sub3A : i32
    %select_n3A = arith.select %and3A, %sub3A_16, %div3A : i32
    %jit3A_17 = arith.constant 8 : i32
    %eq3A = arith.constant 0 : i32
    %eq3A_18 = arith.cmpi eq, %jit3A_17, %eq3A : i32
    %jit3A_19 = arith.constant 1 : i32
    %select_n3A_20 = arith.select %eq3A_18, %jit3A_19, %jit3A_17 : i32
    %rem3A_21 = arith.remsi %add3A, %select_n3A_20 : i32
    %ne3A_22 = arith.constant 0 : i32
    %ne3A_23 = arith.cmpi ne, %rem3A_21, %ne3A_22 : i32
    %lt3A = arith.constant 0 : i32
    %lt3A_24 = arith.cmpi slt, %rem3A_21, %lt3A : i32
    %lt3A_25 = arith.constant 0 : i32
    %lt3A_26 = arith.cmpi slt, %select_n3A_20, %lt3A_25 : i32
    %ne3A_27 = arith.xori %lt3A_24, %lt3A_26 : i1
    %and3A_28 = arith.andi %ne3A_27, %ne3A_23 : i1
    %add3A_29 = arith.addi %rem3A_21, %select_n3A_20 : i32
    %select_n3A_30 = arith.select %and3A_28, %add3A_29, %rem3A_21 : i32
    %mul3A_31 = arith.constant 128 : i32
    %mul3A_32 = arith.muli %select_n3A_30, %mul3A_31 : i32
    %mul3A_33 = arith.constant 3 : i32
    %mul3A_34 = arith.muli %select_n3A, %mul3A_33 : i32
    %add3A_35 = arith.constant 0 : i32
    %add3A_36 = arith.addi %mul3A_34, %add3A_35 : i32
    %mul3A_37 = arith.constant 8192 : i32
    %mul3A_38 = arith.muli %add3A_36, %mul3A_37 : i32
    "tpu.region"() ({
      %run_scoped3A = tpu.sem_alloc : memref<!tpu.dma_semaphore, #tpu.memory_space<semaphore_mem>>
      %dma_start3A = tpu.memref_slice %arg2[%mul3A_38] : memref<98304xf32, #tpu.memory_space<hbm>> -> memref<8192xf32, #tpu.memory_space<hbm>>
      %dma_start3A_98 = tpu.memref_slice %arg2[%mul3A_38] : memref<98304xf32, #tpu.memory_space<hbm>> -> memref<8192xf32, #tpu.memory_space<hbm>>
      tpu.enqueue_dma source(%dma_start3A_98 : memref<8192xf32, #tpu.memory_space<hbm>>) target(%arg8 : memref<8192xf32, #tpu.memory_space<vmem>>) target_semaphore(%run_scoped3A : memref<!tpu.dma_semaphore, #tpu.memory_space<semaphore_mem>>)
      %dma_wait3A = tpu.memref_slice %arg2[%mul3A_38] : memref<98304xf32, #tpu.memory_space<hbm>> -> memref<8192xf32, #tpu.memory_space<hbm>>
      %dma_wait3A_99 = tpu.memref_slice %arg2[%mul3A_38] : memref<98304xf32, #tpu.memory_space<hbm>> -> memref<8192xf32, #tpu.memory_space<hbm>>
      tpu.wait_dma2 semaphore(%run_scoped3A : memref<!tpu.dma_semaphore, #tpu.memory_space<semaphore_mem>>) src(%dma_wait3A_99 : memref<8192xf32, #tpu.memory_space<hbm>>) dst(%arg8 : memref<8192xf32, #tpu.memory_space<vmem>>)
      tpu.yield
    }) : () -> ()
    %mul3A_39 = arith.constant 3 : i32
    %mul3A_40 = arith.muli %select_n3A, %mul3A_39 : i32
    %add3A_41 = arith.constant 1 : i32
    %add3A_42 = arith.addi %mul3A_40, %add3A_41 : i32
    %mul3A_43 = arith.constant 8192 : i32
    %mul3A_44 = arith.muli %add3A_42, %mul3A_43 : i32
    "tpu.region"() ({
      %run_scoped3A = tpu.sem_alloc : memref<!tpu.dma_semaphore, #tpu.memory_space<semaphore_mem>>
      %dma_start3A = tpu.memref_slice %arg2[%mul3A_44] : memref<98304xf32, #tpu.memory_space<hbm>> -> memref<8192xf32, #tpu.memory_space<hbm>>
      %dma_start3A_98 = tpu.memref_slice %arg2[%mul3A_44] : memref<98304xf32, #tpu.memory_space<hbm>> -> memref<8192xf32, #tpu.memory_space<hbm>>
      tpu.enqueue_dma source(%dma_start3A_98 : memref<8192xf32, #tpu.memory_space<hbm>>) target(%arg9 : memref<8192xf32, #tpu.memory_space<vmem>>) target_semaphore(%run_scoped3A : memref<!tpu.dma_semaphore, #tpu.memory_space<semaphore_mem>>)
      %dma_wait3A = tpu.memref_slice %arg2[%mul3A_44] : memref<98304xf32, #tpu.memory_space<hbm>> -> memref<8192xf32, #tpu.memory_space<hbm>>
      %dma_wait3A_99 = tpu.memref_slice %arg2[%mul3A_44] : memref<98304xf32, #tpu.memory_space<hbm>> -> memref<8192xf32, #tpu.memory_space<hbm>>
      tpu.wait_dma2 semaphore(%run_scoped3A : memref<!tpu.dma_semaphore, #tpu.memory_space<semaphore_mem>>) src(%dma_wait3A_99 : memref<8192xf32, #tpu.memory_space<hbm>>) dst(%arg9 : memref<8192xf32, #tpu.memory_space<vmem>>)
      tpu.yield
    }) : () -> ()
    %mul3A_45 = arith.constant 3 : i32
    %mul3A_46 = arith.muli %select_n3A, %mul3A_45 : i32
    %add3A_47 = arith.constant 2 : i32
    %add3A_48 = arith.addi %mul3A_46, %add3A_47 : i32
    %mul3A_49 = arith.constant 8192 : i32
    %mul3A_50 = arith.muli %add3A_48, %mul3A_49 : i32
    "tpu.region"() ({
      %run_scoped3A = tpu.sem_alloc : memref<!tpu.dma_semaphore, #tpu.memory_space<semaphore_mem>>
      %dma_start3A = tpu.memref_slice %arg2[%mul3A_50] : memref<98304xf32, #tpu.memory_space<hbm>> -> memref<8192xf32, #tpu.memory_space<hbm>>
      %dma_start3A_98 = tpu.memref_slice %arg2[%mul3A_50] : memref<98304xf32, #tpu.memory_space<hbm>> -> memref<8192xf32, #tpu.memory_space<hbm>>
      tpu.enqueue_dma source(%dma_start3A_98 : memref<8192xf32, #tpu.memory_space<hbm>>) target(%arg10 : memref<8192xf32, #tpu.memory_space<vmem>>) target_semaphore(%run_scoped3A : memref<!tpu.dma_semaphore, #tpu.memory_space<semaphore_mem>>)
      %dma_wait3A = tpu.memref_slice %arg2[%mul3A_50] : memref<98304xf32, #tpu.memory_space<hbm>> -> memref<8192xf32, #tpu.memory_space<hbm>>
      %dma_wait3A_99 = tpu.memref_slice %arg2[%mul3A_50] : memref<98304xf32, #tpu.memory_space<hbm>> -> memref<8192xf32, #tpu.memory_space<hbm>>
      tpu.wait_dma2 semaphore(%run_scoped3A : memref<!tpu.dma_semaphore, #tpu.memory_space<semaphore_mem>>) src(%dma_wait3A_99 : memref<8192xf32, #tpu.memory_space<hbm>>) dst(%arg10 : memref<8192xf32, #tpu.memory_space<vmem>>)
      tpu.yield
    }) : () -> ()
    %mul3A_51 = arith.constant 8192 : i32
    %mul3A_52 = arith.muli %select_n3A, %mul3A_51 : i32
    "tpu.region"() ({
      %run_scoped3A = tpu.sem_alloc : memref<!tpu.dma_semaphore, #tpu.memory_space<semaphore_mem>>
      %dma_start3A = tpu.memref_slice %arg4[%mul3A_52] : memref<32768xf32, #tpu.memory_space<hbm>> -> memref<8192xf32, #tpu.memory_space<hbm>>
      %dma_start3A_98 = tpu.memref_slice %arg4[%mul3A_52] : memref<32768xf32, #tpu.memory_space<hbm>> -> memref<8192xf32, #tpu.memory_space<hbm>>
      tpu.enqueue_dma source(%dma_start3A_98 : memref<8192xf32, #tpu.memory_space<hbm>>) target(%arg11 : memref<8192xf32, #tpu.memory_space<vmem>>) target_semaphore(%run_scoped3A : memref<!tpu.dma_semaphore, #tpu.memory_space<semaphore_mem>>)
      %dma_wait3A = tpu.memref_slice %arg4[%mul3A_52] : memref<32768xf32, #tpu.memory_space<hbm>> -> memref<8192xf32, #tpu.memory_space<hbm>>
      %dma_wait3A_99 = tpu.memref_slice %arg4[%mul3A_52] : memref<32768xf32, #tpu.memory_space<hbm>> -> memref<8192xf32, #tpu.memory_space<hbm>>
      tpu.wait_dma2 semaphore(%run_scoped3A : memref<!tpu.dma_semaphore, #tpu.memory_space<semaphore_mem>>) src(%dma_wait3A_99 : memref<8192xf32, #tpu.memory_space<hbm>>) dst(%arg11 : memref<8192xf32, #tpu.memory_space<vmem>>)
      tpu.yield
    }) : () -> ()
    %mul3A_53 = arith.constant 3 : i32
    %mul3A_54 = arith.muli %select_n3A, %mul3A_53 : i32
    %add3A_55 = arith.constant 0 : i32
    %add3A_56 = arith.addi %mul3A_54, %add3A_55 : i32
    %mul3A_57 = arith.constant 1024 : i32
    %mul3A_58 = arith.muli %add3A_56, %mul3A_57 : i32
    %add3A_59 = arith.addi %mul3A_58, %mul3A_32 : i32
    "tpu.region"() ({
      %run_scoped3A = tpu.sem_alloc : memref<!tpu.dma_semaphore, #tpu.memory_space<semaphore_mem>>
      %dma_start3A = arith.constant 0 : i32
      %dma_start3A_98 = tpu.memref_slice %arg12[%dma_start3A] : memref<144xf32, #tpu.memory_space<vmem>> -> memref<128xf32, #tpu.memory_space<vmem>>
      %dma_start3A_99 = tpu.memref_slice %arg3[%add3A_59] : memref<12288xf32, #tpu.memory_space<hbm>> -> memref<128xf32, #tpu.memory_space<hbm>>
      %dma_start3A_100 = arith.constant 0 : i32
      %dma_start3A_101 = tpu.memref_slice %arg12[%dma_start3A_100] : memref<144xf32, #tpu.memory_space<vmem>> -> memref<128xf32, #tpu.memory_space<vmem>>
      %dma_start3A_102 = tpu.memref_slice %arg3[%add3A_59] : memref<12288xf32, #tpu.memory_space<hbm>> -> memref<128xf32, #tpu.memory_space<hbm>>
      tpu.enqueue_dma source(%dma_start3A_102 : memref<128xf32, #tpu.memory_space<hbm>>) target(%dma_start3A_101 : memref<128xf32, #tpu.memory_space<vmem>>) target_semaphore(%run_scoped3A : memref<!tpu.dma_semaphore, #tpu.memory_space<semaphore_mem>>)
      %dma_wait3A = arith.constant 0 : i32
      %dma_wait3A_103 = tpu.memref_slice %arg12[%dma_wait3A] : memref<144xf32, #tpu.memory_space<vmem>> -> memref<128xf32, #tpu.memory_space<vmem>>
      %dma_wait3A_104 = tpu.memref_slice %arg3[%add3A_59] : memref<12288xf32, #tpu.memory_space<hbm>> -> memref<128xf32, #tpu.memory_space<hbm>>
      %dma_wait3A_105 = arith.constant 0 : i32
      %dma_wait3A_106 = tpu.memref_slice %arg12[%dma_wait3A_105] : memref<144xf32, #tpu.memory_space<vmem>> -> memref<128xf32, #tpu.memory_space<vmem>>
      %dma_wait3A_107 = tpu.memref_slice %arg3[%add3A_59] : memref<12288xf32, #tpu.memory_space<hbm>> -> memref<128xf32, #tpu.memory_space<hbm>>
      tpu.wait_dma2 semaphore(%run_scoped3A : memref<!tpu.dma_semaphore, #tpu.memory_space<semaphore_mem>>) src(%dma_wait3A_107 : memref<128xf32, #tpu.memory_space<hbm>>) dst(%dma_wait3A_106 : memref<128xf32, #tpu.memory_space<vmem>>)
      tpu.yield
    }) : () -> ()
    %mul3A_60 = arith.constant 3 : i32
    %mul3A_61 = arith.muli %select_n3A, %mul3A_60 : i32
    %add3A_62 = arith.constant 1 : i32
    %add3A_63 = arith.addi %mul3A_61, %add3A_62 : i32
    %mul3A_64 = arith.constant 1024 : i32
    %mul3A_65 = arith.muli %add3A_63, %mul3A_64 : i32
    %add3A_66 = arith.addi %mul3A_65, %mul3A_32 : i32
    "tpu.region"() ({
      %run_scoped3A = tpu.sem_alloc : memref<!tpu.dma_semaphore, #tpu.memory_space<semaphore_mem>>
      %dma_start3A = arith.constant 0 : i32
      %dma_start3A_98 = tpu.memref_slice %arg13[%dma_start3A] : memref<144xf32, #tpu.memory_space<vmem>> -> memref<128xf32, #tpu.memory_space<vmem>>
      %dma_start3A_99 = tpu.memref_slice %arg3[%add3A_66] : memref<12288xf32, #tpu.memory_space<hbm>> -> memref<128xf32, #tpu.memory_space<hbm>>
      %dma_start3A_100 = arith.constant 0 : i32
      %dma_start3A_101 = tpu.memref_slice %arg13[%dma_start3A_100] : memref<144xf32, #tpu.memory_space<vmem>> -> memref<128xf32, #tpu.memory_space<vmem>>
      %dma_start3A_102 = tpu.memref_slice %arg3[%add3A_66] : memref<12288xf32, #tpu.memory_space<hbm>> -> memref<128xf32, #tpu.memory_space<hbm>>
      tpu.enqueue_dma source(%dma_start3A_102 : memref<128xf32, #tpu.memory_space<hbm>>) target(%dma_start3A_101 : memref<128xf32, #tpu.memory_space<vmem>>) target_semaphore(%run_scoped3A : memref<!tpu.dma_semaphore, #tpu.memory_space<semaphore_mem>>)
      %dma_wait3A = arith.constant 0 : i32
      %dma_wait3A_103 = tpu.memref_slice %arg13[%dma_wait3A] : memref<144xf32, #tpu.memory_space<vmem>> -> memref<128xf32, #tpu.memory_space<vmem>>
      %dma_wait3A_104 = tpu.memref_slice %arg3[%add3A_66] : memref<12288xf32, #tpu.memory_space<hbm>> -> memref<128xf32, #tpu.memory_space<hbm>>
      %dma_wait3A_105 = arith.constant 0 : i32
      %dma_wait3A_106 = tpu.memref_slice %arg13[%dma_wait3A_105] : memref<144xf32, #tpu.memory_space<vmem>> -> memref<128xf32, #tpu.memory_space<vmem>>
      %dma_wait3A_107 = tpu.memref_slice %arg3[%add3A_66] : memref<12288xf32, #tpu.memory_space<hbm>> -> memref<128xf32, #tpu.memory_space<hbm>>
      tpu.wait_dma2 semaphore(%run_scoped3A : memref<!tpu.dma_semaphore, #tpu.memory_space<semaphore_mem>>) src(%dma_wait3A_107 : memref<128xf32, #tpu.memory_space<hbm>>) dst(%dma_wait3A_106 : memref<128xf32, #tpu.memory_space<vmem>>)
      tpu.yield
    }) : () -> ()
    %mul3A_67 = arith.constant 3 : i32
    %mul3A_68 = arith.muli %select_n3A, %mul3A_67 : i32
    %add3A_69 = arith.constant 2 : i32
    %add3A_70 = arith.addi %mul3A_68, %add3A_69 : i32
    %mul3A_71 = arith.constant 1024 : i32
    %mul3A_72 = arith.muli %add3A_70, %mul3A_71 : i32
    %add3A_73 = arith.addi %mul3A_72, %mul3A_32 : i32
    "tpu.region"() ({
      %run_scoped3A = tpu.sem_alloc : memref<!tpu.dma_semaphore, #tpu.memory_space<semaphore_mem>>
      %dma_start3A = arith.constant 0 : i32
      %dma_start3A_98 = tpu.memref_slice %arg14[%dma_start3A] : memref<144xf32, #tpu.memory_space<vmem>> -> memref<128xf32, #tpu.memory_space<vmem>>
      %dma_start3A_99 = tpu.memref_slice %arg3[%add3A_73] : memref<12288xf32, #tpu.memory_space<hbm>> -> memref<128xf32, #tpu.memory_space<hbm>>
      %dma_start3A_100 = arith.constant 0 : i32
      %dma_start3A_101 = tpu.memref_slice %arg14[%dma_start3A_100] : memref<144xf32, #tpu.memory_space<vmem>> -> memref<128xf32, #tpu.memory_space<vmem>>
      %dma_start3A_102 = tpu.memref_slice %arg3[%add3A_73] : memref<12288xf32, #tpu.memory_space<hbm>> -> memref<128xf32, #tpu.memory_space<hbm>>
      tpu.enqueue_dma source(%dma_start3A_102 : memref<128xf32, #tpu.memory_space<hbm>>) target(%dma_start3A_101 : memref<128xf32, #tpu.memory_space<vmem>>) target_semaphore(%run_scoped3A : memref<!tpu.dma_semaphore, #tpu.memory_space<semaphore_mem>>)
      %dma_wait3A = arith.constant 0 : i32
      %dma_wait3A_103 = tpu.memref_slice %arg14[%dma_wait3A] : memref<144xf32, #tpu.memory_space<vmem>> -> memref<128xf32, #tpu.memory_space<vmem>>
      %dma_wait3A_104 = tpu.memref_slice %arg3[%add3A_73] : memref<12288xf32, #tpu.memory_space<hbm>> -> memref<128xf32, #tpu.memory_space<hbm>>
      %dma_wait3A_105 = arith.constant 0 : i32
      %dma_wait3A_106 = tpu.memref_slice %arg14[%dma_wait3A_105] : memref<144xf32, #tpu.memory_space<vmem>> -> memref<128xf32, #tpu.memory_space<vmem>>
      %dma_wait3A_107 = tpu.memref_slice %arg3[%add3A_73] : memref<12288xf32, #tpu.memory_space<hbm>> -> memref<128xf32, #tpu.memory_space<hbm>>
      tpu.wait_dma2 semaphore(%run_scoped3A : memref<!tpu.dma_semaphore, #tpu.memory_space<semaphore_mem>>) src(%dma_wait3A_107 : memref<128xf32, #tpu.memory_space<hbm>>) dst(%dma_wait3A_106 : memref<128xf32, #tpu.memory_space<vmem>>)
      tpu.yield
    }) : () -> ()
    %mul3A_74 = arith.constant 1024 : i32
    %mul3A_75 = arith.muli %select_n3A, %mul3A_74 : i32
    %add3A_76 = arith.addi %mul3A_75, %mul3A_32 : i32
    "tpu.region"() ({
      %run_scoped3A = tpu.sem_alloc : memref<!tpu.dma_semaphore, #tpu.memory_space<semaphore_mem>>
      %dma_start3A = arith.constant 0 : i32
      %dma_start3A_98 = tpu.memref_slice %arg15[%dma_start3A] : memref<144xf32, #tpu.memory_space<vmem>> -> memref<128xf32, #tpu.memory_space<vmem>>
      %dma_start3A_99 = tpu.memref_slice %arg5[%add3A_76] : memref<4096xf32, #tpu.memory_space<hbm>> -> memref<128xf32, #tpu.memory_space<hbm>>
      %dma_start3A_100 = arith.constant 0 : i32
      %dma_start3A_101 = tpu.memref_slice %arg15[%dma_start3A_100] : memref<144xf32, #tpu.memory_space<vmem>> -> memref<128xf32, #tpu.memory_space<vmem>>
      %dma_start3A_102 = tpu.memref_slice %arg5[%add3A_76] : memref<4096xf32, #tpu.memory_space<hbm>> -> memref<128xf32, #tpu.memory_space<hbm>>
      tpu.enqueue_dma source(%dma_start3A_102 : memref<128xf32, #tpu.memory_space<hbm>>) target(%dma_start3A_101 : memref<128xf32, #tpu.memory_space<vmem>>) target_semaphore(%run_scoped3A : memref<!tpu.dma_semaphore, #tpu.memory_space<semaphore_mem>>)
      %dma_wait3A = arith.constant 0 : i32
      %dma_wait3A_103 = tpu.memref_slice %arg15[%dma_wait3A] : memref<144xf32, #tpu.memory_space<vmem>> -> memref<128xf32, #tpu.memory_space<vmem>>
      %dma_wait3A_104 = tpu.memref_slice %arg5[%add3A_76] : memref<4096xf32, #tpu.memory_space<hbm>> -> memref<128xf32, #tpu.memory_space<hbm>>
      %dma_wait3A_105 = arith.constant 0 : i32
      %dma_wait3A_106 = tpu.memref_slice %arg15[%dma_wait3A_105] : memref<144xf32, #tpu.memory_space<vmem>> -> memref<128xf32, #tpu.memory_space<vmem>>
      %dma_wait3A_107 = tpu.memref_slice %arg5[%add3A_76] : memref<4096xf32, #tpu.memory_space<hbm>> -> memref<128xf32, #tpu.memory_space<hbm>>
      tpu.wait_dma2 semaphore(%run_scoped3A : memref<!tpu.dma_semaphore, #tpu.memory_space<semaphore_mem>>) src(%dma_wait3A_107 : memref<128xf32, #tpu.memory_space<hbm>>) dst(%dma_wait3A_106 : memref<128xf32, #tpu.memory_space<vmem>>)
      tpu.yield
    }) : () -> ()
    %iota3A = tpu.iota {dimensions = array<i32: 0>} : vector<16xi32>
    %broadcast_in_dim3A = arith.constant 1 : i32
    %broadcast_in_dim3A_77 = vector.broadcast %broadcast_in_dim3A : i32 to vector<16xi32>
    %broadcast_in_dim3A_78 = arith.constant 0 : i32
    %broadcast_in_dim3A_79 = vector.broadcast %broadcast_in_dim3A_78 : i32 to vector<16xi32>
    %scan3A = arith.constant 0 : i32
    %scan3A_80 = arith.constant 0 : i32
    %scan3A_81 = arith.constant 128 : i32
    %scan3A_82 = arith.addi %scan3A_80, %scan3A_81 : i32
    %scan3A_83 = arith.constant 1 : i32
    %scan3A_84 = scf.for %scan3A_98 = %scan3A_80 to %scan3A_82 step %scan3A_83 iter_args(%scan3A_99 = %scan3A) -> (i32)  : i32 {
      %get3A = arith.index_cast %scan3A_98 : i32 to index
      %get3A_100 = tpu.vector_load %arg12[%get3A] {strides = array<i32>} : memref<144xf32, #tpu.memory_space<vmem>>, vector<16xf32>,
      %slice3A = vector.extract_strided_slice %get3A_100 {offsets = [0], sizes = [1], strides = [1]} : vector<16xf32> to vector<1xf32>
      %squeeze3A = vector.extract %slice3A[0] : f32 from vector<1xf32>
      %get3A_101 = arith.index_cast %scan3A_98 : i32 to index
      %get3A_102 = tpu.vector_load %arg13[%get3A_101] {strides = array<i32>} : memref<144xf32, #tpu.memory_space<vmem>>, vector<16xf32>,
      %slice3A_103 = vector.extract_strided_slice %get3A_102 {offsets = [0], sizes = [1], strides = [1]} : vector<16xf32> to vector<1xf32>
      %squeeze3A_104 = vector.extract %slice3A_103[0] : f32 from vector<1xf32>
      %get3A_105 = arith.index_cast %scan3A_98 : i32 to index
      %get3A_106 = tpu.vector_load %arg14[%get3A_105] {strides = array<i32>} : memref<144xf32, #tpu.memory_space<vmem>>, vector<16xf32>,
      %slice3A_107 = vector.extract_strided_slice %get3A_106 {offsets = [0], sizes = [1], strides = [1]} : vector<16xf32> to vector<1xf32>
      %squeeze3A_108 = vector.extract %slice3A_107[0] : f32 from vector<1xf32>
      %get3A_109 = arith.index_cast %scan3A_98 : i32 to index
      %get3A_110 = tpu.vector_load %arg15[%get3A_109] {strides = array<i32>} : memref<144xf32, #tpu.memory_space<vmem>>, vector<16xf32>,
      %slice3A_111 = vector.extract_strided_slice %get3A_110 {offsets = [0], sizes = [1], strides = [1]} : vector<16xf32> to vector<1xf32>
      %squeeze3A_112 = vector.extract %slice3A_111[0] : f32 from vector<1xf32>
      %while3A = arith.constant 0 : i32
      %while3A_113 = arith.constant 0 : i32
      %while3A_114:2 = scf.while (%while3A_158 = %while3A, %while3A_159 = %while3A_113) : (i32, i32) -> (i32, i32) {
        %lt3A_160 = arith.constant 32 : i32
        %lt3A_161 = arith.cmpi slt, %while3A_159, %lt3A_160 : i32
        %lt3A_162 = arith.constant 256 : i32
        %lt3A_163 = arith.cmpi slt, %while3A_158, %lt3A_162 : i32
        %and3A_164 = arith.andi %lt3A_161, %lt3A_163 : i1
        scf.condition(%and3A_164) %while3A_158, %while3A_159 : i32, i32
      } do {
      ^bb0(%while3A_158: i32, %while3A_159: i32):
        %mul3A_160 = arith.constant 32 : i32
        %mul3A_161 = arith.muli %while3A_158, %mul3A_160 : i32
        %add3A_162 = arith.constant 0 : i32
        %add3A_163 = arith.addi %mul3A_161, %add3A_162 : i32
        %get3A_164 = arith.index_cast %add3A_163 : i32 to index
        %get3A_165 = tpu.vector_load %arg8[%get3A_164] {strides = array<i32>} : memref<8192xf32, #tpu.memory_space<vmem>>, vector<16xf32>,
        %mul3A_166 = vector.broadcast %squeeze3A : f32 to vector<16xf32>
        %mul3A_167 = arith.mulf %get3A_165, %mul3A_166 : vector<16xf32>
        %get3A_168 = arith.index_cast %add3A_163 : i32 to index
        %get3A_169 = tpu.vector_load %arg9[%get3A_168] {strides = array<i32>} : memref<8192xf32, #tpu.memory_space<vmem>>, vector<16xf32>,
        %mul3A_170 = vector.broadcast %squeeze3A_104 : f32 to vector<16xf32>
        %mul3A_171 = arith.mulf %get3A_169, %mul3A_170 : vector<16xf32>
        %get3A_172 = arith.index_cast %add3A_163 : i32 to index
        %get3A_173 = tpu.vector_load %arg10[%get3A_172] {strides = array<i32>} : memref<8192xf32, #tpu.memory_space<vmem>>, vector<16xf32>,
        %mul3A_174 = vector.broadcast %squeeze3A_108 : f32 to vector<16xf32>
        %mul3A_175 = arith.mulf %get3A_173, %mul3A_174 : vector<16xf32>
        %mul3A_176 = arith.constant 0x4E000000 : f32
        %mul3A_177 = vector.broadcast %mul3A_176 : f32 to vector<16xf32>
        %mul3A_178 = arith.mulf %mul3A_167, %mul3A_177 : vector<16xf32>
        %convert_element_type3A = arith.fptosi %mul3A_178 : vector<16xf32> to vector<16xi32>
        %mul3A_179 = arith.constant 0x4E000000 : f32
        %mul3A_180 = vector.broadcast %mul3A_179 : f32 to vector<16xf32>
        %mul3A_181 = arith.mulf %mul3A_171, %mul3A_180 : vector<16xf32>
        %convert_element_type3A_182 = arith.fptosi %mul3A_181 : vector<16xf32> to vector<16xi32>
        %mul3A_183 = arith.constant 0x4E000000 : f32
        %mul3A_184 = vector.broadcast %mul3A_183 : f32 to vector<16xf32>
        %mul3A_185 = arith.mulf %mul3A_175, %mul3A_184 : vector<16xf32>
        %convert_element_type3A_186 = arith.fptosi %mul3A_185 : vector<16xf32> to vector<16xi32>
        %add3A_187 = arith.addi %convert_element_type3A, %convert_element_type3A_182 : vector<16xi32>
        %add3A_188 = arith.addi %add3A_187, %convert_element_type3A_186 : vector<16xi32>
        %convert_element_type3A_189 = arith.sitofp %add3A_188 : vector<16xi32> to vector<16xf32>
        %mul3A_190 = arith.constant 1.86264515E-9 : f32
        %mul3A_191 = vector.broadcast %mul3A_190 : f32 to vector<16xf32>
        %mul3A_192 = arith.mulf %convert_element_type3A_189, %mul3A_191 : vector<16xf32>
        %get3A_193 = arith.index_cast %add3A_163 : i32 to index
        %get3A_194 = tpu.vector_load %arg11[%get3A_193] {strides = array<i32>} : memref<8192xf32, #tpu.memory_space<vmem>>, vector<16xf32>,
        %add3A_195 = vector.broadcast %squeeze3A_112 : f32 to vector<16xf32>
        %add3A_196 = arith.addf %add3A_195, %get3A_194 : vector<16xf32>
        %mul3A_197 = arith.constant 2.000000e+00 : f32
        %mul3A_198 = vector.broadcast %mul3A_197 : f32 to vector<16xf32>
        %mul3A_199 = arith.mulf %mul3A_198, %mul3A_192 : vector<16xf32>
        %sub3A_200 = arith.subf %add3A_196, %mul3A_199 : vector<16xf32>
        %gt3A = arith.constant 4.000000e-02 : f32
        %gt3A_201 = vector.broadcast %gt3A : f32 to vector<16xf32>
        %gt3A_202 = arith.cmpf ogt, %sub3A_200, %gt3A_201 : vector<16xf32>
        %not3A = arith.constant dense<true> : vector<16xi1>
        %not3A_203 = arith.xori %gt3A_202, %not3A : vector<16xi1>
        %all_reduce_population_count3A = tpu.all_reduce %not3A_203 {dim = 0 : i64, kind = #tpu.reduction_kind<sum>} : vector<16xi1> -> vector<16xi32>
        %slice3A_204 = vector.extract_strided_slice %all_reduce_population_count3A {offsets = [0], sizes = [1], strides = [1]} : vector<16xi32> to vector<1xi32>
        %squeeze3A_205 = vector.extract %slice3A_204[0] : i32 from vector<1xi32>
        %select_n3A_206 = arith.select %not3A_203, %broadcast_in_dim3A_77, %broadcast_in_dim3A_79 : vector<16xi1>, vector<16xi32>
        %broadcast_in_dim3A_207 = arith.constant true
        %broadcast_in_dim3A_208 = vector.broadcast %broadcast_in_dim3A_207 : i1 to vector<16xi1>
        %masked_cumsum3A = tpu.scan <sum>, %select_n3A_206 masked %broadcast_in_dim3A_208 : vector<16xi32>, vector<16xi1> -> vector<16xi32>
        %add3A_209 = vector.broadcast %while3A_159 : i32 to vector<16xi32>
        %add3A_210 = arith.addi %add3A_209, %masked_cumsum3A : vector<16xi32>
        %sub3A_211 = arith.constant 1 : i32
        %sub3A_212 = vector.broadcast %sub3A_211 : i32 to vector<16xi32>
        %sub3A_213 = arith.subi %add3A_210, %sub3A_212 : vector<16xi32>
        %min3A = arith.constant 127 : i32
        %min3A_214 = vector.broadcast %min3A : i32 to vector<16xi32>
        %min3A_215 = arith.minsi %sub3A_213, %min3A_214 : vector<16xi32>
        %add3A_216 = arith.constant 0 : i32
        %add3A_217 = arith.addi %mul3A_161, %add3A_216 : i32
        %add3A_218 = vector.broadcast %add3A_217 : i32 to vector<16xi32>
        %add3A_219 = arith.addi %add3A_218, %iota3A : vector<16xi32>
        tpu.vector_store_idx %arg16[%min3A_215], %add3A_219 masked %not3A_203 : memref<128xi32, #tpu.memory_space<vmem>>[vector<16xi32>], vector<16xi32>, vector<16xi1>
        %add3A_220 = arith.addi %while3A_159, %squeeze3A_205 : i32
        %add3A_221 = arith.constant 16 : i32
        %add3A_222 = arith.addi %mul3A_161, %add3A_221 : i32
        %get3A_223 = arith.index_cast %add3A_222 : i32 to index
        %get3A_224 = tpu.vector_load %arg8[%get3A_223] {strides = array<i32>} : memref<8192xf32, #tpu.memory_space<vmem>>, vector<16xf32>,
        %mul3A_225 = vector.broadcast %squeeze3A : f32 to vector<16xf32>
        %mul3A_226 = arith.mulf %get3A_224, %mul3A_225 : vector<16xf32>
        %get3A_227 = arith.index_cast %add3A_222 : i32 to index
        %get3A_228 = tpu.vector_load %arg9[%get3A_227] {strides = array<i32>} : memref<8192xf32, #tpu.memory_space<vmem>>, vector<16xf32>,
        %mul3A_229 = vector.broadcast %squeeze3A_104 : f32 to vector<16xf32>
        %mul3A_230 = arith.mulf %get3A_228, %mul3A_229 : vector<16xf32>
        %get3A_231 = arith.index_cast %add3A_222 : i32 to index
        %get3A_232 = tpu.vector_load %arg10[%get3A_231] {strides = array<i32>} : memref<8192xf32, #tpu.memory_space<vmem>>, vector<16xf32>,
        %mul3A_233 = vector.broadcast %squeeze3A_108 : f32 to vector<16xf32>
        %mul3A_234 = arith.mulf %get3A_232, %mul3A_233 : vector<16xf32>
        %mul3A_235 = arith.constant 0x4E000000 : f32
        %mul3A_236 = vector.broadcast %mul3A_235 : f32 to vector<16xf32>
        %mul3A_237 = arith.mulf %mul3A_226, %mul3A_236 : vector<16xf32>
        %convert_element_type3A_238 = arith.fptosi %mul3A_237 : vector<16xf32> to vector<16xi32>
        %mul3A_239 = arith.constant 0x4E000000 : f32
        %mul3A_240 = vector.broadcast %mul3A_239 : f32 to vector<16xf32>
        %mul3A_241 = arith.mulf %mul3A_230, %mul3A_240 : vector<16xf32>
        %convert_element_type3A_242 = arith.fptosi %mul3A_241 : vector<16xf32> to vector<16xi32>
        %mul3A_243 = arith.constant 0x4E000000 : f32
        %mul3A_244 = vector.broadcast %mul3A_243 : f32 to vector<16xf32>
        %mul3A_245 = arith.mulf %mul3A_234, %mul3A_244 : vector<16xf32>
        %convert_element_type3A_246 = arith.fptosi %mul3A_245 : vector<16xf32> to vector<16xi32>
        %add3A_247 = arith.addi %convert_element_type3A_238, %convert_element_type3A_242 : vector<16xi32>
        %add3A_248 = arith.addi %add3A_247, %convert_element_type3A_246 : vector<16xi32>
        %convert_element_type3A_249 = arith.sitofp %add3A_248 : vector<16xi32> to vector<16xf32>
        %mul3A_250 = arith.constant 1.86264515E-9 : f32
        %mul3A_251 = vector.broadcast %mul3A_250 : f32 to vector<16xf32>
        %mul3A_252 = arith.mulf %convert_element_type3A_249, %mul3A_251 : vector<16xf32>
        %get3A_253 = arith.index_cast %add3A_222 : i32 to index
        %get3A_254 = tpu.vector_load %arg11[%get3A_253] {strides = array<i32>} : memref<8192xf32, #tpu.memory_space<vmem>>, vector<16xf32>,
        %add3A_255 = vector.broadcast %squeeze3A_112 : f32 to vector<16xf32>
        %add3A_256 = arith.addf %add3A_255, %get3A_254 : vector<16xf32>
        %mul3A_257 = arith.constant 2.000000e+00 : f32
        %mul3A_258 = vector.broadcast %mul3A_257 : f32 to vector<16xf32>
        %mul3A_259 = arith.mulf %mul3A_258, %mul3A_252 : vector<16xf32>
        %sub3A_260 = arith.subf %add3A_256, %mul3A_259 : vector<16xf32>
        %gt3A_261 = arith.constant 4.000000e-02 : f32
        %gt3A_262 = vector.broadcast %gt3A_261 : f32 to vector<16xf32>
        %gt3A_263 = arith.cmpf ogt, %sub3A_260, %gt3A_262 : vector<16xf32>
        %not3A_264 = arith.constant dense<true> : vector<16xi1>
        %not3A_265 = arith.xori %gt3A_263, %not3A_264 : vector<16xi1>
        %all_reduce_population_count3A_266 = tpu.all_reduce %not3A_265 {dim = 0 : i64, kind = #tpu.reduction_kind<sum>} : vector<16xi1> -> vector<16xi32>
        %slice3A_267 = vector.extract_strided_slice %all_reduce_population_count3A_266 {offsets = [0], sizes = [1], strides = [1]} : vector<16xi32> to vector<1xi32>
        %squeeze3A_268 = vector.extract %slice3A_267[0] : i32 from vector<1xi32>
        %select_n3A_269 = arith.select %not3A_265, %broadcast_in_dim3A_77, %broadcast_in_dim3A_79 : vector<16xi1>, vector<16xi32>
        %broadcast_in_dim3A_270 = arith.constant true
        %broadcast_in_dim3A_271 = vector.broadcast %broadcast_in_dim3A_270 : i1 to vector<16xi1>
        %masked_cumsum3A_272 = tpu.scan <sum>, %select_n3A_269 masked %broadcast_in_dim3A_271 : vector<16xi32>, vector<16xi1> -> vector<16xi32>
        %add3A_273 = vector.broadcast %add3A_220 : i32 to vector<16xi32>
        %add3A_274 = arith.addi %add3A_273, %masked_cumsum3A_272 : vector<16xi32>
        %sub3A_275 = arith.constant 1 : i32
        %sub3A_276 = vector.broadcast %sub3A_275 : i32 to vector<16xi32>
        %sub3A_277 = arith.subi %add3A_274, %sub3A_276 : vector<16xi32>
        %min3A_278 = arith.constant 127 : i32
        %min3A_279 = vector.broadcast %min3A_278 : i32 to vector<16xi32>
        %min3A_280 = arith.minsi %sub3A_277, %min3A_279 : vector<16xi32>
        %add3A_281 = arith.constant 16 : i32
        %add3A_282 = arith.addi %mul3A_161, %add3A_281 : i32
        %add3A_283 = vector.broadcast %add3A_282 : i32 to vector<16xi32>
        %add3A_284 = arith.addi %add3A_283, %iota3A : vector<16xi32>
        tpu.vector_store_idx %arg16[%min3A_280], %add3A_284 masked %not3A_265 : memref<128xi32, #tpu.memory_space<vmem>>[vector<16xi32>], vector<16xi32>, vector<16xi1>
        %add3A_285 = arith.addi %add3A_220, %squeeze3A_268 : i32
        %add3A_286 = arith.constant 1 : i32
        %add3A_287 = arith.addi %while3A_158, %add3A_286 : i32
        scf.yield %add3A_287, %add3A_285 : i32, i32
      }
      %get3A_115 = arith.constant 0 : index
      %get3A_116 = tpu.vector_load %arg16[%get3A_115] {strides = array<i32>} : memref<128xi32, #tpu.memory_space<vmem>>, vector<16xi32>,
      %slice3A_117 = vector.extract_strided_slice %get3A_116 {offsets = [0], sizes = [1], strides = [1]} : vector<16xi32> to vector<1xi32>
      %squeeze3A_118 = vector.extract %slice3A_117[0] : i32 from vector<1xi32>
      %mul3A_119 = arith.constant 8192 : i32
      %mul3A_120 = arith.muli %select_n3A, %mul3A_119 : i32
      %broadcast_in_dim3A_121 = arith.constant true
      %broadcast_in_dim3A_122 = vector.broadcast %broadcast_in_dim3A_121 : i1 to vector<16xi1>
      %get3A_123 = arith.constant 0 : index
      %get3A_124 = tpu.vector_load %arg16[%get3A_123] {strides = array<i32>} : memref<128xi32, #tpu.memory_space<vmem>>, vector<16xi32>,
      %add3A_125 = arith.constant 0 : i32
      %add3A_126 = vector.broadcast %add3A_125 : i32 to vector<16xi32>
      %add3A_127 = arith.addi %iota3A, %add3A_126 : vector<16xi32>
      %lt3A_128 = vector.broadcast %while3A_114#1 : i32 to vector<16xi32>
      %lt3A_129 = arith.cmpi slt, %add3A_127, %lt3A_128 : vector<16xi32>
      %broadcast_in_dim3A_130 = vector.broadcast %squeeze3A_118 : i32 to vector<16xi32>
      %select_n3A_131 = arith.select %lt3A_129, %get3A_124, %broadcast_in_dim3A_130 : vector<16xi1>, vector<16xi32>
      %mul3A_132 = arith.constant 32 : i32
      %mul3A_133 = arith.muli %scan3A_98, %mul3A_132 : i32
      %add3A_134 = arith.constant 0 : i32
      %add3A_135 = arith.addi %mul3A_133, %add3A_134 : i32
      %add3A_136 = vector.broadcast %add3A_135 : i32 to vector<16xi32>
      %add3A_137 = arith.addi %add3A_136, %iota3A : vector<16xi32>
      %add3A_138 = vector.broadcast %mul3A_120 : i32 to vector<16xi32>
      %add3A_139 = arith.addi %select_n3A_131, %add3A_138 : vector<16xi32>
      tpu.vector_store_idx %arg17[%add3A_137], %add3A_139 masked %broadcast_in_dim3A_122 : memref<4112xi32, #tpu.memory_space<vmem>>[vector<16xi32>], vector<16xi32>, vector<16xi1>
      %get3A_140 = arith.constant 16 : index
      %get3A_141 = tpu.vector_load %arg16[%get3A_140] {strides = array<i32>} : memref<128xi32, #tpu.memory_space<vmem>>, vector<16xi32>,
      %add3A_142 = arith.constant 16 : i32
      %add3A_143 = vector.broadcast %add3A_142 : i32 to vector<16xi32>
      %add3A_144 = arith.addi %iota3A, %add3A_143 : vector<16xi32>
      %lt3A_145 = vector.broadcast %while3A_114#1 : i32 to vector<16xi32>
      %lt3A_146 = arith.cmpi slt, %add3A_144, %lt3A_145 : vector<16xi32>
      %broadcast_in_dim3A_147 = vector.broadcast %squeeze3A_118 : i32 to vector<16xi32>
      %select_n3A_148 = arith.select %lt3A_146, %get3A_141, %broadcast_in_dim3A_147 : vector<16xi1>, vector<16xi32>
      %mul3A_149 = arith.constant 32 : i32
      %mul3A_150 = arith.muli %scan3A_98, %mul3A_149 : i32
      %add3A_151 = arith.constant 16 : i32
      %add3A_152 = arith.addi %mul3A_150, %add3A_151 : i32
      %add3A_153 = vector.broadcast %add3A_152 : i32 to vector<16xi32>
      %add3A_154 = arith.addi %add3A_153, %iota3A : vector<16xi32>
      %add3A_155 = vector.broadcast %mul3A_120 : i32 to vector<16xi32>
      %add3A_156 = arith.addi %select_n3A_148, %add3A_155 : vector<16xi32>
      tpu.vector_store_idx %arg17[%add3A_154], %add3A_156 masked %broadcast_in_dim3A_122 : memref<4112xi32, #tpu.memory_space<vmem>>[vector<16xi32>], vector<16xi32>, vector<16xi1>
      %scan3A_157 = arith.constant 0 : i32
      scf.yield %scan3A_157 : i32
    }
    %scan3A_85 = arith.constant 128 : i32
    %mul3A_86 = arith.constant 1024 : i32
    %mul3A_87 = arith.muli %select_n3A, %mul3A_86 : i32
    %add3A_88 = arith.addi %mul3A_87, %mul3A_32 : i32
    %mul3A_89 = arith.constant 32 : i32
    %mul3A_90 = arith.muli %add3A_88, %mul3A_89 : i32
    %scan3A_91 = arith.constant 0 : i32
    %scan3A_92 = arith.constant 0 : i32
    %scan3A_93 = arith.constant 32 : i32
    %scan3A_94 = arith.addi %scan3A_92, %scan3A_93 : i32
    %scan3A_95 = arith.constant 1 : i32
    %scan3A_96 = scf.for %scan3A_98 = %scan3A_92 to %scan3A_94 step %scan3A_95 iter_args(%scan3A_99 = %scan3A_91) -> (i32)  : i32 {
      %mul3A_100 = arith.constant 128 : i32
      %mul3A_101 = arith.muli %scan3A_98, %mul3A_100 : i32
      %add3A_102 = arith.constant 0 : i32
      %add3A_103 = arith.addi %mul3A_101, %add3A_102 : i32
      %get3A = arith.index_cast %add3A_103 : i32 to index
      %get3A_104 = tpu.vector_load %arg17[%get3A] {strides = array<i32>} : memref<4112xi32, #tpu.memory_space<vmem>>, vector<16xi32>,
      %add3A_105 = arith.constant 0 : i32
      %add3A_106 = vector.broadcast %add3A_105 : i32 to vector<16xi32>
      %add3A_107 = arith.addi %add3A_106, %iota3A : vector<16xi32>
      %jit3A_108 = arith.constant 4 : i32
      %div3A_109 = vector.broadcast %jit3A_108 : i32 to vector<16xi32>
      %div3A_110 = arith.divsi %get3A_104, %div3A_109 : vector<16xi32>
      %sign3A_111 = arith.constant 0 : i32
      %sign3A_112 = vector.broadcast %sign3A_111 : i32 to vector<16xi32>
      %sign3A_113 = arith.cmpi sgt, %get3A_104, %sign3A_112 : vector<16xi32>
      %sign3A_114 = arith.extui %sign3A_113 : vector<16xi1> to vector<16xi32>
      %sign3A_115 = arith.constant 0 : i32
      %sign3A_116 = vector.broadcast %sign3A_115 : i32 to vector<16xi32>
      %sign3A_117 = arith.cmpi slt, %get3A_104, %sign3A_116 : vector<16xi32>
      %sign3A_118 = arith.extui %sign3A_117 : vector<16xi1> to vector<16xi32>
      %sign3A_119 = arith.subi %sign3A_114, %sign3A_118 : vector<16xi32>
      %sign3A_120 = arith.constant 0 : i32
      %sign3A_121 = arith.cmpi sgt, %jit3A_108, %sign3A_120 : i32
      %sign3A_122 = arith.extui %sign3A_121 : i1 to i32
      %sign3A_123 = arith.constant 0 : i32
      %sign3A_124 = arith.cmpi slt, %jit3A_108, %sign3A_123 : i32
      %sign3A_125 = arith.extui %sign3A_124 : i1 to i32
      %sign3A_126 = arith.subi %sign3A_122, %sign3A_125 : i32
      %ne3A_127 = vector.broadcast %sign3A_126 : i32 to vector<16xi32>
      %ne3A_128 = arith.cmpi ne, %sign3A_119, %ne3A_127 : vector<16xi32>
      %rem3A_129 = vector.broadcast %jit3A_108 : i32 to vector<16xi32>
      %rem3A_130 = arith.remsi %get3A_104, %rem3A_129 : vector<16xi32>
      %ne3A_131 = arith.constant 0 : i32
      %ne3A_132 = vector.broadcast %ne3A_131 : i32 to vector<16xi32>
      %ne3A_133 = arith.cmpi ne, %rem3A_130, %ne3A_132 : vector<16xi32>
      %and3A_134 = arith.andi %ne3A_128, %ne3A_133 : vector<16xi1>
      %sub3A_135 = arith.constant 1 : i32
      %sub3A_136 = vector.broadcast %sub3A_135 : i32 to vector<16xi32>
      %sub3A_137 = arith.subi %div3A_110, %sub3A_136 : vector<16xi32>
      %select_n3A_138 = arith.select %and3A_134, %sub3A_137, %div3A_110 : vector<16xi1>, vector<16xi32>
      %broadcast_in_dim3A_139 = arith.constant true
      %broadcast_in_dim3A_140 = vector.broadcast %broadcast_in_dim3A_139 : i1 to vector<16xi1>
      tpu.vector_store_idx %arg18[%add3A_107], %select_n3A_138 masked %broadcast_in_dim3A_140 : memref<128xi32, #tpu.memory_space<vmem>>[vector<16xi32>], vector<16xi32>, vector<16xi1>
      %add3A_141 = arith.constant 16 : i32
      %add3A_142 = arith.addi %mul3A_101, %add3A_141 : i32
      %get3A_143 = arith.index_cast %add3A_142 : i32 to index
      %get3A_144 = tpu.vector_load %arg17[%get3A_143] {strides = array<i32>} : memref<4112xi32, #tpu.memory_space<vmem>>, vector<16xi32>,
      %add3A_145 = arith.constant 16 : i32
      %add3A_146 = vector.broadcast %add3A_145 : i32 to vector<16xi32>
      %add3A_147 = arith.addi %add3A_146, %iota3A : vector<16xi32>
      %jit3A_148 = arith.constant 4 : i32
      %div3A_149 = vector.broadcast %jit3A_148 : i32 to vector<16xi32>
      %div3A_150 = arith.divsi %get3A_144, %div3A_149 : vector<16xi32>
      %sign3A_151 = arith.constant 0 : i32
      %sign3A_152 = vector.broadcast %sign3A_151 : i32 to vector<16xi32>
      %sign3A_153 = arith.cmpi sgt, %get3A_144, %sign3A_152 : vector<16xi32>
      %sign3A_154 = arith.extui %sign3A_153 : vector<16xi1> to vector<16xi32>
      %sign3A_155 = arith.constant 0 : i32
      %sign3A_156 = vector.broadcast %sign3A_155 : i32 to vector<16xi32>
      %sign3A_157 = arith.cmpi slt, %get3A_144, %sign3A_156 : vector<16xi32>
      %sign3A_158 = arith.extui %sign3A_157 : vector<16xi1> to vector<16xi32>
      %sign3A_159 = arith.subi %sign3A_154, %sign3A_158 : vector<16xi32>
      %sign3A_160 = arith.constant 0 : i32
      %sign3A_161 = arith.cmpi sgt, %jit3A_148, %sign3A_160 : i32
      %sign3A_162 = arith.extui %sign3A_161 : i1 to i32
      %sign3A_163 = arith.constant 0 : i32
      %sign3A_164 = arith.cmpi slt, %jit3A_148, %sign3A_163 : i32
      %sign3A_165 = arith.extui %sign3A_164 : i1 to i32
      %sign3A_166 = arith.subi %sign3A_162, %sign3A_165 : i32
      %ne3A_167 = vector.broadcast %sign3A_166 : i32 to vector<16xi32>
      %ne3A_168 = arith.cmpi ne, %sign3A_159, %ne3A_167 : vector<16xi32>
      %rem3A_169 = vector.broadcast %jit3A_148 : i32 to vector<16xi32>
      %rem3A_170 = arith.remsi %get3A_144, %rem3A_169 : vector<16xi32>
      %ne3A_171 = arith.constant 0 : i32
      %ne3A_172 = vector.broadcast %ne3A_171 : i32 to vector<16xi32>
      %ne3A_173 = arith.cmpi ne, %rem3A_170, %ne3A_172 : vector<16xi32>
      %and3A_174 = arith.andi %ne3A_168, %ne3A_173 : vector<16xi1>
      %sub3A_175 = arith.constant 1 : i32
      %sub3A_176 = vector.broadcast %sub3A_175 : i32 to vector<16xi32>
      %sub3A_177 = arith.subi %div3A_150, %sub3A_176 : vector<16xi32>
      %select_n3A_178 = arith.select %and3A_174, %sub3A_177, %div3A_150 : vector<16xi1>, vector<16xi32>
      %broadcast_in_dim3A_179 = arith.constant true
      %broadcast_in_dim3A_180 = vector.broadcast %broadcast_in_dim3A_179 : i1 to vector<16xi1>
      tpu.vector_store_idx %arg18[%add3A_147], %select_n3A_178 masked %broadcast_in_dim3A_180 : memref<128xi32, #tpu.memory_space<vmem>>[vector<16xi32>], vector<16xi32>, vector<16xi1>
      %add3A_181 = arith.constant 32 : i32
      %add3A_182 = arith.addi %mul3A_101, %add3A_181 : i32
      %get3A_183 = arith.index_cast %add3A_182 : i32 to index
      %get3A_184 = tpu.vector_load %arg17[%get3A_183] {strides = array<i32>} : memref<4112xi32, #tpu.memory_space<vmem>>, vector<16xi32>,
      %add3A_185 = arith.constant 32 : i32
      %add3A_186 = vector.broadcast %add3A_185 : i32 to vector<16xi32>
      %add3A_187 = arith.addi %add3A_186, %iota3A : vector<16xi32>
      %jit3A_188 = arith.constant 4 : i32
      %div3A_189 = vector.broadcast %jit3A_188 : i32 to vector<16xi32>
      %div3A_190 = arith.divsi %get3A_184, %div3A_189 : vector<16xi32>
      %sign3A_191 = arith.constant 0 : i32
      %sign3A_192 = vector.broadcast %sign3A_191 : i32 to vector<16xi32>
      %sign3A_193 = arith.cmpi sgt, %get3A_184, %sign3A_192 : vector<16xi32>
      %sign3A_194 = arith.extui %sign3A_193 : vector<16xi1> to vector<16xi32>
      %sign3A_195 = arith.constant 0 : i32
      %sign3A_196 = vector.broadcast %sign3A_195 : i32 to vector<16xi32>
      %sign3A_197 = arith.cmpi slt, %get3A_184, %sign3A_196 : vector<16xi32>
      %sign3A_198 = arith.extui %sign3A_197 : vector<16xi1> to vector<16xi32>
      %sign3A_199 = arith.subi %sign3A_194, %sign3A_198 : vector<16xi32>
      %sign3A_200 = arith.constant 0 : i32
      %sign3A_201 = arith.cmpi sgt, %jit3A_188, %sign3A_200 : i32
      %sign3A_202 = arith.extui %sign3A_201 : i1 to i32
      %sign3A_203 = arith.constant 0 : i32
      %sign3A_204 = arith.cmpi slt, %jit3A_188, %sign3A_203 : i32
      %sign3A_205 = arith.extui %sign3A_204 : i1 to i32
      %sign3A_206 = arith.subi %sign3A_202, %sign3A_205 : i32
      %ne3A_207 = vector.broadcast %sign3A_206 : i32 to vector<16xi32>
      %ne3A_208 = arith.cmpi ne, %sign3A_199, %ne3A_207 : vector<16xi32>
      %rem3A_209 = vector.broadcast %jit3A_188 : i32 to vector<16xi32>
      %rem3A_210 = arith.remsi %get3A_184, %rem3A_209 : vector<16xi32>
      %ne3A_211 = arith.constant 0 : i32
      %ne3A_212 = vector.broadcast %ne3A_211 : i32 to vector<16xi32>
      %ne3A_213 = arith.cmpi ne, %rem3A_210, %ne3A_212 : vector<16xi32>
      %and3A_214 = arith.andi %ne3A_208, %ne3A_213 : vector<16xi1>
      %sub3A_215 = arith.constant 1 : i32
      %sub3A_216 = vector.broadcast %sub3A_215 : i32 to vector<16xi32>
      %sub3A_217 = arith.subi %div3A_190, %sub3A_216 : vector<16xi32>
      %select_n3A_218 = arith.select %and3A_214, %sub3A_217, %div3A_190 : vector<16xi1>, vector<16xi32>
      %broadcast_in_dim3A_219 = arith.constant true
      %broadcast_in_dim3A_220 = vector.broadcast %broadcast_in_dim3A_219 : i1 to vector<16xi1>
      tpu.vector_store_idx %arg18[%add3A_187], %select_n3A_218 masked %broadcast_in_dim3A_220 : memref<128xi32, #tpu.memory_space<vmem>>[vector<16xi32>], vector<16xi32>, vector<16xi1>
      %add3A_221 = arith.constant 48 : i32
      %add3A_222 = arith.addi %mul3A_101, %add3A_221 : i32
      %get3A_223 = arith.index_cast %add3A_222 : i32 to index
      %get3A_224 = tpu.vector_load %arg17[%get3A_223] {strides = array<i32>} : memref<4112xi32, #tpu.memory_space<vmem>>, vector<16xi32>,
      %add3A_225 = arith.constant 48 : i32
      %add3A_226 = vector.broadcast %add3A_225 : i32 to vector<16xi32>
      %add3A_227 = arith.addi %add3A_226, %iota3A : vector<16xi32>
      %jit3A_228 = arith.constant 4 : i32
      %div3A_229 = vector.broadcast %jit3A_228 : i32 to vector<16xi32>
      %div3A_230 = arith.divsi %get3A_224, %div3A_229 : vector<16xi32>
      %sign3A_231 = arith.constant 0 : i32
      %sign3A_232 = vector.broadcast %sign3A_231 : i32 to vector<16xi32>
      %sign3A_233 = arith.cmpi sgt, %get3A_224, %sign3A_232 : vector<16xi32>
      %sign3A_234 = arith.extui %sign3A_233 : vector<16xi1> to vector<16xi32>
      %sign3A_235 = arith.constant 0 : i32
      %sign3A_236 = vector.broadcast %sign3A_235 : i32 to vector<16xi32>
      %sign3A_237 = arith.cmpi slt, %get3A_224, %sign3A_236 : vector<16xi32>
      %sign3A_238 = arith.extui %sign3A_237 : vector<16xi1> to vector<16xi32>
      %sign3A_239 = arith.subi %sign3A_234, %sign3A_238 : vector<16xi32>
      %sign3A_240 = arith.constant 0 : i32
      %sign3A_241 = arith.cmpi sgt, %jit3A_228, %sign3A_240 : i32
      %sign3A_242 = arith.extui %sign3A_241 : i1 to i32
      %sign3A_243 = arith.constant 0 : i32
      %sign3A_244 = arith.cmpi slt, %jit3A_228, %sign3A_243 : i32
      %sign3A_245 = arith.extui %sign3A_244 : i1 to i32
      %sign3A_246 = arith.subi %sign3A_242, %sign3A_245 : i32
      %ne3A_247 = vector.broadcast %sign3A_246 : i32 to vector<16xi32>
      %ne3A_248 = arith.cmpi ne, %sign3A_239, %ne3A_247 : vector<16xi32>
      %rem3A_249 = vector.broadcast %jit3A_228 : i32 to vector<16xi32>
      %rem3A_250 = arith.remsi %get3A_224, %rem3A_249 : vector<16xi32>
      %ne3A_251 = arith.constant 0 : i32
      %ne3A_252 = vector.broadcast %ne3A_251 : i32 to vector<16xi32>
      %ne3A_253 = arith.cmpi ne, %rem3A_250, %ne3A_252 : vector<16xi32>
      %and3A_254 = arith.andi %ne3A_248, %ne3A_253 : vector<16xi1>
      %sub3A_255 = arith.constant 1 : i32
      %sub3A_256 = vector.broadcast %sub3A_255 : i32 to vector<16xi32>
      %sub3A_257 = arith.subi %div3A_230, %sub3A_256 : vector<16xi32>
      %select_n3A_258 = arith.select %and3A_254, %sub3A_257, %div3A_230 : vector<16xi1>, vector<16xi32>
      %broadcast_in_dim3A_259 = arith.constant true
      %broadcast_in_dim3A_260 = vector.broadcast %broadcast_in_dim3A_259 : i1 to vector<16xi1>
      tpu.vector_store_idx %arg18[%add3A_227], %select_n3A_258 masked %broadcast_in_dim3A_260 : memref<128xi32, #tpu.memory_space<vmem>>[vector<16xi32>], vector<16xi32>, vector<16xi1>
      %add3A_261 = arith.constant 64 : i32
      %add3A_262 = arith.addi %mul3A_101, %add3A_261 : i32
      %get3A_263 = arith.index_cast %add3A_262 : i32 to index
      %get3A_264 = tpu.vector_load %arg17[%get3A_263] {strides = array<i32>} : memref<4112xi32, #tpu.memory_space<vmem>>, vector<16xi32>,
      %add3A_265 = arith.constant 64 : i32
      %add3A_266 = vector.broadcast %add3A_265 : i32 to vector<16xi32>
      %add3A_267 = arith.addi %add3A_266, %iota3A : vector<16xi32>
      %jit3A_268 = arith.constant 4 : i32
      %div3A_269 = vector.broadcast %jit3A_268 : i32 to vector<16xi32>
      %div3A_270 = arith.divsi %get3A_264, %div3A_269 : vector<16xi32>
      %sign3A_271 = arith.constant 0 : i32
      %sign3A_272 = vector.broadcast %sign3A_271 : i32 to vector<16xi32>
      %sign3A_273 = arith.cmpi sgt, %get3A_264, %sign3A_272 : vector<16xi32>
      %sign3A_274 = arith.extui %sign3A_273 : vector<16xi1> to vector<16xi32>
      %sign3A_275 = arith.constant 0 : i32
      %sign3A_276 = vector.broadcast %sign3A_275 : i32 to vector<16xi32>
      %sign3A_277 = arith.cmpi slt, %get3A_264, %sign3A_276 : vector<16xi32>
      %sign3A_278 = arith.extui %sign3A_277 : vector<16xi1> to vector<16xi32>
      %sign3A_279 = arith.subi %sign3A_274, %sign3A_278 : vector<16xi32>
      %sign3A_280 = arith.constant 0 : i32
      %sign3A_281 = arith.cmpi sgt, %jit3A_268, %sign3A_280 : i32
      %sign3A_282 = arith.extui %sign3A_281 : i1 to i32
      %sign3A_283 = arith.constant 0 : i32
      %sign3A_284 = arith.cmpi slt, %jit3A_268, %sign3A_283 : i32
      %sign3A_285 = arith.extui %sign3A_284 : i1 to i32
      %sign3A_286 = arith.subi %sign3A_282, %sign3A_285 : i32
      %ne3A_287 = vector.broadcast %sign3A_286 : i32 to vector<16xi32>
      %ne3A_288 = arith.cmpi ne, %sign3A_279, %ne3A_287 : vector<16xi32>
      %rem3A_289 = vector.broadcast %jit3A_268 : i32 to vector<16xi32>
      %rem3A_290 = arith.remsi %get3A_264, %rem3A_289 : vector<16xi32>
      %ne3A_291 = arith.constant 0 : i32
      %ne3A_292 = vector.broadcast %ne3A_291 : i32 to vector<16xi32>
      %ne3A_293 = arith.cmpi ne, %rem3A_290, %ne3A_292 : vector<16xi32>
      %and3A_294 = arith.andi %ne3A_288, %ne3A_293 : vector<16xi1>
      %sub3A_295 = arith.constant 1 : i32
      %sub3A_296 = vector.broadcast %sub3A_295 : i32 to vector<16xi32>
      %sub3A_297 = arith.subi %div3A_270, %sub3A_296 : vector<16xi32>
      %select_n3A_298 = arith.select %and3A_294, %sub3A_297, %div3A_270 : vector<16xi1>, vector<16xi32>
      %broadcast_in_dim3A_299 = arith.constant true
      %broadcast_in_dim3A_300 = vector.broadcast %broadcast_in_dim3A_299 : i1 to vector<16xi1>
      tpu.vector_store_idx %arg18[%add3A_267], %select_n3A_298 masked %broadcast_in_dim3A_300 : memref<128xi32, #tpu.memory_space<vmem>>[vector<16xi32>], vector<16xi32>, vector<16xi1>
      %add3A_301 = arith.constant 80 : i32
      %add3A_302 = arith.addi %mul3A_101, %add3A_301 : i32
      %get3A_303 = arith.index_cast %add3A_302 : i32 to index
      %get3A_304 = tpu.vector_load %arg17[%get3A_303] {strides = array<i32>} : memref<4112xi32, #tpu.memory_space<vmem>>, vector<16xi32>,
      %add3A_305 = arith.constant 80 : i32
      %add3A_306 = vector.broadcast %add3A_305 : i32 to vector<16xi32>
      %add3A_307 = arith.addi %add3A_306, %iota3A : vector<16xi32>
      %jit3A_308 = arith.constant 4 : i32
      %div3A_309 = vector.broadcast %jit3A_308 : i32 to vector<16xi32>
      %div3A_310 = arith.divsi %get3A_304, %div3A_309 : vector<16xi32>
      %sign3A_311 = arith.constant 0 : i32
      %sign3A_312 = vector.broadcast %sign3A_311 : i32 to vector<16xi32>
      %sign3A_313 = arith.cmpi sgt, %get3A_304, %sign3A_312 : vector<16xi32>
      %sign3A_314 = arith.extui %sign3A_313 : vector<16xi1> to vector<16xi32>
      %sign3A_315 = arith.constant 0 : i32
      %sign3A_316 = vector.broadcast %sign3A_315 : i32 to vector<16xi32>
      %sign3A_317 = arith.cmpi slt, %get3A_304, %sign3A_316 : vector<16xi32>
      %sign3A_318 = arith.extui %sign3A_317 : vector<16xi1> to vector<16xi32>
      %sign3A_319 = arith.subi %sign3A_314, %sign3A_318 : vector<16xi32>
      %sign3A_320 = arith.constant 0 : i32
      %sign3A_321 = arith.cmpi sgt, %jit3A_308, %sign3A_320 : i32
      %sign3A_322 = arith.extui %sign3A_321 : i1 to i32
      %sign3A_323 = arith.constant 0 : i32
      %sign3A_324 = arith.cmpi slt, %jit3A_308, %sign3A_323 : i32
      %sign3A_325 = arith.extui %sign3A_324 : i1 to i32
      %sign3A_326 = arith.subi %sign3A_322, %sign3A_325 : i32
      %ne3A_327 = vector.broadcast %sign3A_326 : i32 to vector<16xi32>
      %ne3A_328 = arith.cmpi ne, %sign3A_319, %ne3A_327 : vector<16xi32>
      %rem3A_329 = vector.broadcast %jit3A_308 : i32 to vector<16xi32>
      %rem3A_330 = arith.remsi %get3A_304, %rem3A_329 : vector<16xi32>
      %ne3A_331 = arith.constant 0 : i32
      %ne3A_332 = vector.broadcast %ne3A_331 : i32 to vector<16xi32>
      %ne3A_333 = arith.cmpi ne, %rem3A_330, %ne3A_332 : vector<16xi32>
      %and3A_334 = arith.andi %ne3A_328, %ne3A_333 : vector<16xi1>
      %sub3A_335 = arith.constant 1 : i32
      %sub3A_336 = vector.broadcast %sub3A_335 : i32 to vector<16xi32>
      %sub3A_337 = arith.subi %div3A_310, %sub3A_336 : vector<16xi32>
      %select_n3A_338 = arith.select %and3A_334, %sub3A_337, %div3A_310 : vector<16xi1>, vector<16xi32>
      %broadcast_in_dim3A_339 = arith.constant true
      %broadcast_in_dim3A_340 = vector.broadcast %broadcast_in_dim3A_339 : i1 to vector<16xi1>
      tpu.vector_store_idx %arg18[%add3A_307], %select_n3A_338 masked %broadcast_in_dim3A_340 : memref<128xi32, #tpu.memory_space<vmem>>[vector<16xi32>], vector<16xi32>, vector<16xi1>
      %add3A_341 = arith.constant 96 : i32
      %add3A_342 = arith.addi %mul3A_101, %add3A_341 : i32
      %get3A_343 = arith.index_cast %add3A_342 : i32 to index
      %get3A_344 = tpu.vector_load %arg17[%get3A_343] {strides = array<i32>} : memref<4112xi32, #tpu.memory_space<vmem>>, vector<16xi32>,
      %add3A_345 = arith.constant 96 : i32
      %add3A_346 = vector.broadcast %add3A_345 : i32 to vector<16xi32>
      %add3A_347 = arith.addi %add3A_346, %iota3A : vector<16xi32>
      %jit3A_348 = arith.constant 4 : i32
      %div3A_349 = vector.broadcast %jit3A_348 : i32 to vector<16xi32>
      %div3A_350 = arith.divsi %get3A_344, %div3A_349 : vector<16xi32>
      %sign3A_351 = arith.constant 0 : i32
      %sign3A_352 = vector.broadcast %sign3A_351 : i32 to vector<16xi32>
      %sign3A_353 = arith.cmpi sgt, %get3A_344, %sign3A_352 : vector<16xi32>
      %sign3A_354 = arith.extui %sign3A_353 : vector<16xi1> to vector<16xi32>
      %sign3A_355 = arith.constant 0 : i32
      %sign3A_356 = vector.broadcast %sign3A_355 : i32 to vector<16xi32>
      %sign3A_357 = arith.cmpi slt, %get3A_344, %sign3A_356 : vector<16xi32>
      %sign3A_358 = arith.extui %sign3A_357 : vector<16xi1> to vector<16xi32>
      %sign3A_359 = arith.subi %sign3A_354, %sign3A_358 : vector<16xi32>
      %sign3A_360 = arith.constant 0 : i32
      %sign3A_361 = arith.cmpi sgt, %jit3A_348, %sign3A_360 : i32
      %sign3A_362 = arith.extui %sign3A_361 : i1 to i32
      %sign3A_363 = arith.constant 0 : i32
      %sign3A_364 = arith.cmpi slt, %jit3A_348, %sign3A_363 : i32
      %sign3A_365 = arith.extui %sign3A_364 : i1 to i32
      %sign3A_366 = arith.subi %sign3A_362, %sign3A_365 : i32
      %ne3A_367 = vector.broadcast %sign3A_366 : i32 to vector<16xi32>
      %ne3A_368 = arith.cmpi ne, %sign3A_359, %ne3A_367 : vector<16xi32>
      %rem3A_369 = vector.broadcast %jit3A_348 : i32 to vector<16xi32>
      %rem3A_370 = arith.remsi %get3A_344, %rem3A_369 : vector<16xi32>
      %ne3A_371 = arith.constant 0 : i32
      %ne3A_372 = vector.broadcast %ne3A_371 : i32 to vector<16xi32>
      %ne3A_373 = arith.cmpi ne, %rem3A_370, %ne3A_372 : vector<16xi32>
      %and3A_374 = arith.andi %ne3A_368, %ne3A_373 : vector<16xi1>
      %sub3A_375 = arith.constant 1 : i32
      %sub3A_376 = vector.broadcast %sub3A_375 : i32 to vector<16xi32>
      %sub3A_377 = arith.subi %div3A_350, %sub3A_376 : vector<16xi32>
      %select_n3A_378 = arith.select %and3A_374, %sub3A_377, %div3A_350 : vector<16xi1>, vector<16xi32>
      %broadcast_in_dim3A_379 = arith.constant true
      %broadcast_in_dim3A_380 = vector.broadcast %broadcast_in_dim3A_379 : i1 to vector<16xi1>
      tpu.vector_store_idx %arg18[%add3A_347], %select_n3A_378 masked %broadcast_in_dim3A_380 : memref<128xi32, #tpu.memory_space<vmem>>[vector<16xi32>], vector<16xi32>, vector<16xi1>
      %add3A_381 = arith.constant 112 : i32
      %add3A_382 = arith.addi %mul3A_101, %add3A_381 : i32
      %get3A_383 = arith.index_cast %add3A_382 : i32 to index
      %get3A_384 = tpu.vector_load %arg17[%get3A_383] {strides = array<i32>} : memref<4112xi32, #tpu.memory_space<vmem>>, vector<16xi32>,
      %add3A_385 = arith.constant 112 : i32
      %add3A_386 = vector.broadcast %add3A_385 : i32 to vector<16xi32>
      %add3A_387 = arith.addi %add3A_386, %iota3A : vector<16xi32>
      %jit3A_388 = arith.constant 4 : i32
      %div3A_389 = vector.broadcast %jit3A_388 : i32 to vector<16xi32>
      %div3A_390 = arith.divsi %get3A_384, %div3A_389 : vector<16xi32>
      %sign3A_391 = arith.constant 0 : i32
      %sign3A_392 = vector.broadcast %sign3A_391 : i32 to vector<16xi32>
      %sign3A_393 = arith.cmpi sgt, %get3A_384, %sign3A_392 : vector<16xi32>
      %sign3A_394 = arith.extui %sign3A_393 : vector<16xi1> to vector<16xi32>
      %sign3A_395 = arith.constant 0 : i32
      %sign3A_396 = vector.broadcast %sign3A_395 : i32 to vector<16xi32>
      %sign3A_397 = arith.cmpi slt, %get3A_384, %sign3A_396 : vector<16xi32>
      %sign3A_398 = arith.extui %sign3A_397 : vector<16xi1> to vector<16xi32>
      %sign3A_399 = arith.subi %sign3A_394, %sign3A_398 : vector<16xi32>
      %sign3A_400 = arith.constant 0 : i32
      %sign3A_401 = arith.cmpi sgt, %jit3A_388, %sign3A_400 : i32
      %sign3A_402 = arith.extui %sign3A_401 : i1 to i32
      %sign3A_403 = arith.constant 0 : i32
      %sign3A_404 = arith.cmpi slt, %jit3A_388, %sign3A_403 : i32
      %sign3A_405 = arith.extui %sign3A_404 : i1 to i32
      %sign3A_406 = arith.subi %sign3A_402, %sign3A_405 : i32
      %ne3A_407 = vector.broadcast %sign3A_406 : i32 to vector<16xi32>
      %ne3A_408 = arith.cmpi ne, %sign3A_399, %ne3A_407 : vector<16xi32>
      %rem3A_409 = vector.broadcast %jit3A_388 : i32 to vector<16xi32>
      %rem3A_410 = arith.remsi %get3A_384, %rem3A_409 : vector<16xi32>
      %ne3A_411 = arith.constant 0 : i32
      %ne3A_412 = vector.broadcast %ne3A_411 : i32 to vector<16xi32>
      %ne3A_413 = arith.cmpi ne, %rem3A_410, %ne3A_412 : vector<16xi32>
      %and3A_414 = arith.andi %ne3A_408, %ne3A_413 : vector<16xi1>
      %sub3A_415 = arith.constant 1 : i32
      %sub3A_416 = vector.broadcast %sub3A_415 : i32 to vector<16xi32>
      %sub3A_417 = arith.subi %div3A_390, %sub3A_416 : vector<16xi32>
      %select_n3A_418 = arith.select %and3A_414, %sub3A_417, %div3A_390 : vector<16xi1>, vector<16xi32>
      %broadcast_in_dim3A_419 = arith.constant true
      %broadcast_in_dim3A_420 = vector.broadcast %broadcast_in_dim3A_419 : i1 to vector<16xi1>
      tpu.vector_store_idx %arg18[%add3A_387], %select_n3A_418 masked %broadcast_in_dim3A_420 : memref<128xi32, #tpu.memory_space<vmem>>[vector<16xi32>], vector<16xi32>, vector<16xi1>
      %dma_start3A = arith.constant 0 : i32
      %dma_start3A_421 = arith.constant 0 : i32
      %dma_start3A_422 = tpu.memref_slice %arg6[%dma_start3A, %dma_start3A_421] : memref<8192x128xf32, #tpu.memory_space<hbm>> -> memref<8192x128xf32, #tpu.memory_space<hbm>>
      tpu.enqueue_indirect_dma source(%dma_start3A_422 : memref<8192x128xf32, #tpu.memory_space<hbm>>) target(%arg19 : memref<128x128xf32, #tpu.memory_space<vmem>>) offsets(%arg18 : memref<128xi32, #tpu.memory_space<vmem>>) semaphore(%arg21 : memref<!tpu.dma_semaphore, #tpu.memory_space<semaphore_mem>>)
      %dma_wait3A = arith.constant 0 : i32
      %dma_wait3A_423 = arith.constant 0 : i32
      %dma_wait3A_424 = tpu.memref_slice %arg6[%dma_wait3A, %dma_wait3A_423] : memref<8192x128xf32, #tpu.memory_space<hbm>> -> memref<8192x128xf32, #tpu.memory_space<hbm>>
      tpu.wait_indirect_dma semaphore(%arg21 : memref<!tpu.dma_semaphore, #tpu.memory_space<semaphore_mem>>) src(%dma_wait3A_424 : memref<8192x128xf32, #tpu.memory_space<hbm>>) dst(%arg19 : memref<128x128xf32, #tpu.memory_space<vmem>>)
      %scan3A_425 = arith.constant 0 : i32
      %scan3A_426 = arith.constant 0 : i32
      %scan3A_427 = arith.constant 128 : i32
      %scan3A_428 = arith.addi %scan3A_426, %scan3A_427 : i32
      %scan3A_429 = arith.constant 1 : i32
      %scan3A_430 = scf.for %scan3A_436 = %scan3A_426 to %scan3A_428 step %scan3A_429 iter_args(%scan3A_437 = %scan3A_425) -> (i32)  : i32 {
        %add3A_438 = arith.addi %mul3A_101, %scan3A_436 : i32
        %get3A_439 = arith.index_cast %add3A_438 : i32 to index
        %get3A_440 = tpu.vector_load %arg17[%get3A_439] {strides = array<i32>} : memref<4112xi32, #tpu.memory_space<vmem>>, vector<16xi32>,
        %slice3A = vector.extract_strided_slice %get3A_440 {offsets = [0], sizes = [1], strides = [1]} : vector<16xi32> to vector<1xi32>
        %squeeze3A = vector.extract %slice3A[0] : i32 from vector<1xi32>
        %jit3A_441 = arith.constant 4 : i32
        %eq3A_442 = arith.constant 0 : i32
        %eq3A_443 = arith.cmpi eq, %jit3A_441, %eq3A_442 : i32
        %jit3A_444 = arith.constant 1 : i32
        %select_n3A_445 = arith.select %eq3A_443, %jit3A_444, %jit3A_441 : i32
        %rem3A_446 = arith.remsi %squeeze3A, %select_n3A_445 : i32
        %ne3A_447 = arith.constant 0 : i32
        %ne3A_448 = arith.cmpi ne, %rem3A_446, %ne3A_447 : i32
        %lt3A_449 = arith.constant 0 : i32
        %lt3A_450 = arith.cmpi slt, %rem3A_446, %lt3A_449 : i32
        %lt3A_451 = arith.constant 0 : i32
        %lt3A_452 = arith.cmpi slt, %select_n3A_445, %lt3A_451 : i32
        %ne3A_453 = arith.xori %lt3A_450, %lt3A_452 : i1
        %and3A_454 = arith.andi %ne3A_453, %ne3A_448 : i1
        %add3A_455 = arith.addi %rem3A_446, %select_n3A_445 : i32
        %select_n3A_456 = arith.select %and3A_454, %add3A_455, %rem3A_446 : i32
        %mul3A_457 = arith.constant 32 : i32
        %mul3A_458 = arith.muli %select_n3A_456, %mul3A_457 : i32
        %get3A_459 = arith.index_cast %scan3A_436 : i32 to index
        %get3A_460 = arith.index_cast %mul3A_458 : i32 to index
        %get3A_461 = tpu.vector_load %arg19[%get3A_459, %get3A_460] {strides = array<i32>} : memref<128x128xf32, #tpu.memory_space<vmem>>, vector<16xf32>,
        %mul3A_462 = arith.constant 32 : i32
        %mul3A_463 = arith.muli %scan3A_436, %mul3A_462 : i32
        %swap3A = arith.index_cast %mul3A_463 : i32 to index
        %swap3A_464 = tpu.vector_load %arg20[%swap3A] {strides = array<i32>} : memref<4096xf32, #tpu.memory_space<vmem>>, vector<16xf32>,
        tpu.vector_store %arg20[%swap3A], %get3A_461 {strides = array<i32>} : memref<4096xf32, #tpu.memory_space<vmem>>, vector<16xf32>,
        %add3A_465 = arith.constant 16 : i32
        %add3A_466 = arith.addi %mul3A_458, %add3A_465 : i32
        %get3A_467 = arith.index_cast %scan3A_436 : i32 to index
        %get3A_468 = arith.index_cast %add3A_466 : i32 to index
        %get3A_469 = tpu.vector_load %arg19[%get3A_467, %get3A_468] {strides = array<i32>} : memref<128x128xf32, #tpu.memory_space<vmem>>, vector<16xf32>,
        %mul3A_470 = arith.constant 32 : i32
        %mul3A_471 = arith.muli %scan3A_436, %mul3A_470 : i32
        %add3A_472 = arith.constant 16 : i32
        %add3A_473 = arith.addi %mul3A_471, %add3A_472 : i32
        %swap3A_474 = arith.index_cast %add3A_473 : i32 to index
        %swap3A_475 = tpu.vector_load %arg20[%swap3A_474] {strides = array<i32>} : memref<4096xf32, #tpu.memory_space<vmem>>, vector<16xf32>,
        tpu.vector_store %arg20[%swap3A_474], %get3A_469 {strides = array<i32>} : memref<4096xf32, #tpu.memory_space<vmem>>, vector<16xf32>,
        %scan3A_476 = arith.constant 0 : i32
        scf.yield %scan3A_476 : i32
      }
      %scan3A_431 = arith.constant 128 : i32
      %add3A_432 = arith.addi %mul3A_90, %mul3A_101 : i32
      %mul3A_433 = arith.constant 32 : i32
      %mul3A_434 = arith.muli %add3A_432, %mul3A_433 : i32
      "tpu.region"() ({
        %run_scoped3A = tpu.sem_alloc : memref<!tpu.dma_semaphore, #tpu.memory_space<semaphore_mem>>
        %dma_start3A_436 = tpu.memref_slice %arg7[%mul3A_434] : memref<4194304xf32, #tpu.memory_space<hbm>> -> memref<4096xf32, #tpu.memory_space<hbm>>
        %dma_start3A_437 = tpu.memref_slice %arg7[%mul3A_434] : memref<4194304xf32, #tpu.memory_space<hbm>> -> memref<4096xf32, #tpu.memory_space<hbm>>
        tpu.enqueue_dma source(%arg20 : memref<4096xf32, #tpu.memory_space<vmem>>) target(%dma_start3A_437 : memref<4096xf32, #tpu.memory_space<hbm>>) target_semaphore(%run_scoped3A : memref<!tpu.dma_semaphore, #tpu.memory_space<semaphore_mem>>)
        %dma_wait3A_438 = tpu.memref_slice %arg7[%mul3A_434] : memref<4194304xf32, #tpu.memory_space<hbm>> -> memref<4096xf32, #tpu.memory_space<hbm>>
        %dma_wait3A_439 = tpu.memref_slice %arg7[%mul3A_434] : memref<4194304xf32, #tpu.memory_space<hbm>> -> memref<4096xf32, #tpu.memory_space<hbm>>
        tpu.wait_dma2 semaphore(%run_scoped3A : memref<!tpu.dma_semaphore, #tpu.memory_space<semaphore_mem>>) src(%arg20 : memref<4096xf32, #tpu.memory_space<vmem>>) dst(%dma_wait3A_439 : memref<4096xf32, #tpu.memory_space<hbm>>)
        tpu.yield
      }) : () -> ()
      %scan3A_435 = arith.constant 0 : i32
      scf.yield %scan3A_435 : i32
    }
    %scan3A_97 = arith.constant 32 : i32
    return
  }
}

module attributes {stable_mosaic.version = 14 : i64} {
  func.func @_fps_kernel(%arg0: memref<4x3x8x1024xf32, #tpu.memory_space<vmem>>, %arg1: memref<4x3x1024xf32, #tpu.memory_space<vmem>>) attributes {dimension_semantics = [], scalar_prefetch = 0 : i64, scratch_operands = 0 : i64, tpu.core_type = #tpu.core_type<tc>} {
    %get3A = arith.constant 0 : index
    %get3A_0 = arith.constant 0 : index
    %get3A_1 = arith.constant 0 : index
    %get3A_2 = arith.constant 0 : index
    %get3A_3 = vector.load %arg0[%get3A, %get3A_0, %get3A_1, %get3A_2] : memref<4x3x8x1024xf32, #tpu.memory_space<vmem>>, vector<4x1x8x1024xf32>
    %get3A_4 = vector.shape_cast %get3A_3 : vector<4x1x8x1024xf32> to vector<4x8x1024xf32>
    %get3A_5 = arith.constant 0 : index
    %get3A_6 = arith.constant 1 : index
    %get3A_7 = arith.constant 0 : index
    %get3A_8 = arith.constant 0 : index
    %get3A_9 = vector.load %arg0[%get3A_5, %get3A_6, %get3A_7, %get3A_8] : memref<4x3x8x1024xf32, #tpu.memory_space<vmem>>, vector<4x1x8x1024xf32>
    %get3A_10 = vector.shape_cast %get3A_9 : vector<4x1x8x1024xf32> to vector<4x8x1024xf32>
    %get3A_11 = arith.constant 0 : index
    %get3A_12 = arith.constant 2 : index
    %get3A_13 = arith.constant 0 : index
    %get3A_14 = arith.constant 0 : index
    %get3A_15 = vector.load %arg0[%get3A_11, %get3A_12, %get3A_13, %get3A_14] : memref<4x3x8x1024xf32, #tpu.memory_space<vmem>>, vector<4x1x8x1024xf32>
    %get3A_16 = vector.shape_cast %get3A_15 : vector<4x1x8x1024xf32> to vector<4x8x1024xf32>
    %iota3A = tpu.iota {dimensions = array<i32: 1>} : vector<4x8x1024xi32>
    %iota3A_17 = tpu.iota {dimensions = array<i32: 2>} : vector<4x8x1024xi32>
    %mul3A = arith.constant 1024 : i32
    %mul3A_18 = vector.broadcast %mul3A : i32 to vector<4x8x1024xi32>
    %mul3A_19 = arith.muli %iota3A, %mul3A_18 : vector<4x8x1024xi32>
    %add3A = arith.addi %mul3A_19, %iota3A_17 : vector<4x8x1024xi32>
    %iota3A_20 = tpu.iota {dimensions = array<i32: 2>} : vector<1x1x1024xi32>
    %get3A_21 = arith.constant 0 : index
    %get3A_22 = arith.constant 0 : index
    %get3A_23 = arith.constant 0 : index
    %get3A_24 = arith.constant 0 : index
    %get3A_25 = vector.load %arg0[%get3A_21, %get3A_22, %get3A_23, %get3A_24] : memref<4x3x8x1024xf32, #tpu.memory_space<vmem>>, vector<4x3x8x1024xf32>
    %broadcast_in_dim3A = arith.constant 1.000000e+10 : f32
    %broadcast_in_dim3A_26 = vector.broadcast %broadcast_in_dim3A : f32 to vector<4x8x1024xf32>
    %broadcast_in_dim3A_27 = arith.constant 0 : i32
    %broadcast_in_dim3A_28 = vector.broadcast %broadcast_in_dim3A_27 : i32 to vector<4x1x1xi32>
    %broadcast_in_dim3A_29 = arith.constant 0.000000e+00 : f32
    %broadcast_in_dim3A_30 = vector.broadcast %broadcast_in_dim3A_29 : f32 to vector<4x3x1024xf32>
    %scan3A = arith.constant 0 : i32
    %scan3A_31 = arith.constant 1024 : i32
    %scan3A_32 = arith.addi %scan3A, %scan3A_31 : i32
    %scan3A_33 = arith.constant 1 : i32
    %scan3A_34:3 = scf.for %scan3A_39 = %scan3A to %scan3A_32 step %scan3A_33 iter_args(%scan3A_40 = %broadcast_in_dim3A_26, %scan3A_41 = %broadcast_in_dim3A_28, %scan3A_42 = %broadcast_in_dim3A_30) -> (vector<4x8x1024xf32>, vector<4x1x1xi32>, vector<4x3x1024xf32>)  : i32 {
      %eq3A = vector.broadcast %scan3A_41 : vector<4x1x1xi32> to vector<4x8x1024xi32>
      %eq3A_43 = arith.cmpi eq, %add3A, %eq3A : vector<4x8x1024xi32>
      %broadcast_in_dim3A_44 = vector.shape_cast %eq3A_43 : vector<4x8x1024xi1> to vector<4x1x8x1024xi1>
      %jit3A = arith.constant 0.000000e+00 : f32
      %broadcast_in_dim3A_45 = vector.shape_cast %broadcast_in_dim3A_44 : vector<4x1x8x1024xi1> to vector<4x1x8x1024xi1>
      %broadcast_in_dim3A_46 = vector.broadcast %broadcast_in_dim3A_45 : vector<4x1x8x1024xi1> to vector<4x3x8x1024xi1>
      %broadcast_in_dim3A_47 = vector.broadcast %jit3A : f32 to vector<4x3x8x1024xf32>
      %select_n3A = arith.select %broadcast_in_dim3A_46, %get3A_25, %broadcast_in_dim3A_47 : vector<4x3x8x1024xi1>, vector<4x3x8x1024xf32>
      %reduce_sum3A = arith.constant dense<0.000000e+00> : vector<4x3xf32>
      %reduce_sum3A_48 = vector.multi_reduction <add>, %select_n3A, %reduce_sum3A [2, 3] : vector<4x3x8x1024xf32> to vector<4x3xf32>
      %broadcast_in_dim3A_49 = vector.shape_cast %reduce_sum3A_48 : vector<4x3xf32> to vector<4x3x1xf32>
      %slice3A = vector.extract_strided_slice %reduce_sum3A_48 {offsets = [0, 0], sizes = [4, 1], strides = [1, 1]} : vector<4x3xf32> to vector<4x1xf32>
      %broadcast_in_dim3A_50 = vector.shape_cast %slice3A : vector<4x1xf32> to vector<4x1x1xf32>
      %slice3A_51 = vector.extract_strided_slice %reduce_sum3A_48 {offsets = [0, 1], sizes = [4, 1], strides = [1, 1]} : vector<4x3xf32> to vector<4x1xf32>
      %broadcast_in_dim3A_52 = vector.shape_cast %slice3A_51 : vector<4x1xf32> to vector<4x1x1xf32>
      %slice3A_53 = vector.extract_strided_slice %reduce_sum3A_48 {offsets = [0, 2], sizes = [4, 1], strides = [1, 1]} : vector<4x3xf32> to vector<4x1xf32>
      %broadcast_in_dim3A_54 = vector.shape_cast %slice3A_53 : vector<4x1xf32> to vector<4x1x1xf32>
      %eq3A_55 = vector.broadcast %scan3A_39 : i32 to vector<1x1x1024xi32>
      %eq3A_56 = arith.cmpi eq, %iota3A_20, %eq3A_55 : vector<1x1x1024xi32>
      %broadcast_in_dim3A_57 = vector.shape_cast %eq3A_56 : vector<1x1x1024xi1> to vector<1x1x1024xi1>
      %broadcast_in_dim3A_58 = vector.broadcast %broadcast_in_dim3A_57 : vector<1x1x1024xi1> to vector<4x3x1024xi1>
      %broadcast_in_dim3A_59 = vector.shape_cast %broadcast_in_dim3A_49 : vector<4x3x1xf32> to vector<4x3x1xf32>
      %broadcast_in_dim3A_60 = vector.broadcast %broadcast_in_dim3A_59 : vector<4x3x1xf32> to vector<4x3x1024xf32>
      %select_n3A_61 = arith.select %broadcast_in_dim3A_58, %broadcast_in_dim3A_60, %scan3A_42 : vector<4x3x1024xi1>, vector<4x3x1024xf32>
      %sub3A = vector.broadcast %broadcast_in_dim3A_50 : vector<4x1x1xf32> to vector<4x8x1024xf32>
      %sub3A_62 = arith.subf %get3A_4, %sub3A : vector<4x8x1024xf32>
      %sub3A_63 = vector.broadcast %broadcast_in_dim3A_52 : vector<4x1x1xf32> to vector<4x8x1024xf32>
      %sub3A_64 = arith.subf %get3A_10, %sub3A_63 : vector<4x8x1024xf32>
      %sub3A_65 = vector.broadcast %broadcast_in_dim3A_54 : vector<4x1x1xf32> to vector<4x8x1024xf32>
      %sub3A_66 = arith.subf %get3A_16, %sub3A_65 : vector<4x8x1024xf32>
      %mul3A_67 = arith.mulf %sub3A_62, %sub3A_62 : vector<4x8x1024xf32>
      %mul3A_68 = arith.mulf %sub3A_64, %sub3A_64 : vector<4x8x1024xf32>
      %mul3A_69 = arith.mulf %sub3A_66, %sub3A_66 : vector<4x8x1024xf32>
      %add3A_70 = arith.addf %mul3A_68, %mul3A_69 : vector<4x8x1024xf32>
      %add3A_71 = arith.addf %mul3A_67, %add3A_70 : vector<4x8x1024xf32>
      %min3A = arith.minimumf %scan3A_40, %add3A_71 : vector<4x8x1024xf32>
      %reduce_max3A = arith.constant dense<0xFF800000> : vector<4xf32>
      %reduce_max3A_72 = vector.multi_reduction <maximumf>, %min3A, %reduce_max3A [1, 2] : vector<4x8x1024xf32> to vector<4xf32>
      %broadcast_in_dim3A_73 = vector.shape_cast %reduce_max3A_72 : vector<4xf32> to vector<4x1x1xf32>
      %eq3A_74 = vector.broadcast %broadcast_in_dim3A_73 : vector<4x1x1xf32> to vector<4x8x1024xf32>
      %eq3A_75 = arith.cmpf oeq, %min3A, %eq3A_74 : vector<4x8x1024xf32>
      %jit3A_76 = arith.constant 8192 : i32
      %broadcast_in_dim3A_77 = vector.broadcast %jit3A_76 : i32 to vector<4x8x1024xi32>
      %select_n3A_78 = arith.select %eq3A_75, %add3A, %broadcast_in_dim3A_77 : vector<4x8x1024xi1>, vector<4x8x1024xi32>
      %reduce_min3A = arith.constant dense<2147483647> : vector<4xi32>
      %reduce_min3A_79 = vector.multi_reduction <minsi>, %select_n3A_78, %reduce_min3A [1, 2] : vector<4x8x1024xi32> to vector<4xi32>
      %broadcast_in_dim3A_80 = vector.shape_cast %reduce_min3A_79 : vector<4xi32> to vector<4x1x1xi32>
      scf.yield %min3A, %broadcast_in_dim3A_80, %select_n3A_61 : vector<4x8x1024xf32>, vector<4x1x1xi32>, vector<4x3x1024xf32>
    }
    %scan3A_35 = arith.constant 1024 : i32
    %swap3A = arith.constant 0 : index
    %swap3A_36 = arith.constant 0 : index
    %swap3A_37 = arith.constant 0 : index
    %swap3A_38 = vector.load %arg1[%swap3A, %swap3A_36, %swap3A_37] : memref<4x3x1024xf32, #tpu.memory_space<vmem>>, vector<4x3x1024xf32>
    tpu.vector_store %arg1[%swap3A, %swap3A_36, %swap3A_37], %scan3A_34#2 {strides = array<i32>} : memref<4x3x1024xf32, #tpu.memory_space<vmem>>, vector<4x3x1024xf32>,
    return
  }
}

module attributes {stable_mosaic.version = 14 : i64} {
  func.func @_mlp_kernel(%arg0: i32, %arg1: i32, %arg2: memref<1x128x32x32xf32, #tpu.memory_space<vmem>>, %arg3: memref<1x128x32xf32, #tpu.memory_space<vmem>>, %arg4: memref<32x32xbf16, #tpu.memory_space<vmem>>, %arg5: memref<32x32xbf16, #tpu.memory_space<vmem>>, %arg6: memref<32x64xbf16, #tpu.memory_space<vmem>>, %arg7: memref<5x32xf32, #tpu.memory_space<vmem>>, %arg8: memref<5x32xf32, #tpu.memory_space<vmem>>, %arg9: memref<5x64xf32, #tpu.memory_space<vmem>>, %arg10: memref<1x128x64xf32, #tpu.memory_space<vmem>>) attributes {dimension_semantics = [#tpu.dimension_semantics<arbitrary>, #tpu.dimension_semantics<arbitrary>], iteration_bounds = array<i64: 4, 8>, scalar_prefetch = 0 : i64, scratch_operands = 0 : i64, tpu.core_type = #tpu.core_type<tc>, window_params = [{transform_indices = @transform_0, window_bounds = array<i64: 1, 128, 32, 32>}, {transform_indices = @transform_1, window_bounds = array<i64: 1, 128, 32>}, {pipeline_mode = #tpu.pipeline_mode<synchronous>, transform_indices = @transform_2, window_bounds = array<i64: 32, 32>}, {pipeline_mode = #tpu.pipeline_mode<synchronous>, transform_indices = @transform_3, window_bounds = array<i64: 32, 32>}, {pipeline_mode = #tpu.pipeline_mode<synchronous>, transform_indices = @transform_4, window_bounds = array<i64: 32, 64>}, {pipeline_mode = #tpu.pipeline_mode<synchronous>, transform_indices = @transform_5, window_bounds = array<i64: 5, 32>}, {pipeline_mode = #tpu.pipeline_mode<synchronous>, transform_indices = @transform_6, window_bounds = array<i64: 5, 32>}, {pipeline_mode = #tpu.pipeline_mode<synchronous>, transform_indices = @transform_7, window_bounds = array<i64: 5, 64>}, {transform_indices = @transform_8, window_bounds = array<i64: 1, 128, 64>}]} {
    %get3A = arith.constant 0 : index
    %get3A_0 = arith.constant 0 : index
    %get3A_1 = arith.constant 0 : index
    %get3A_2 = arith.constant 0 : index
    %get3A_3 = vector.load %arg2[%get3A, %get3A_0, %get3A_1, %get3A_2] : memref<1x128x32x32xf32, #tpu.memory_space<vmem>>, vector<1x128x32x32xf32>
    %get3A_4 = vector.shape_cast %get3A_3 : vector<1x128x32x32xf32> to vector<128x32x32xf32>
    %get3A_5 = arith.constant 0 : index
    %get3A_6 = arith.constant 0 : index
    %get3A_7 = arith.constant 0 : index
    %get3A_8 = vector.load %arg3[%get3A_5, %get3A_6, %get3A_7] : memref<1x128x32xf32, #tpu.memory_space<vmem>>, vector<1x128x32xf32>
    %get3A_9 = vector.shape_cast %get3A_8 : vector<1x128x32xf32> to vector<128x32xf32>
    %broadcast_in_dim3A = vector.shape_cast %get3A_9 : vector<128x32xf32> to vector<128x1x32xf32>
    %sub3A = vector.broadcast %broadcast_in_dim3A : vector<128x1x32xf32> to vector<128x32x32xf32>
    %sub3A_10 = arith.subf %get3A_4, %sub3A : vector<128x32x32xf32>
    %reshape3A = vector.shape_cast %sub3A_10 : vector<128x32x32xf32> to vector<4096x32xf32>
    %convert_element_type3A = arith.truncf %reshape3A : vector<4096x32xf32> to vector<4096x32xbf16>
    %get3A_11 = arith.constant 0 : index
    %get3A_12 = arith.constant 0 : index
    %get3A_13 = vector.load %arg4[%get3A_11, %get3A_12] : memref<32x32xbf16, #tpu.memory_space<vmem>>, vector<32x32xbf16>
    %dot_general3A = arith.constant dense<0.000000e+00> : vector<4096x32xf32>
    %dot_general3A_14 = tpu.matmul %convert_element_type3A, %get3A_13, %dot_general3A {dimension_numbers = #tpu.dot_dimension_numbers<[1], [0], [0], [1], [0, 0, 1, 1], [], []>, transpose_lhs_hint = false} : vector<4096x32xbf16>, vector<32x32xbf16>, vector<4096x32xf32> -> vector<4096x32xf32>
    %get3A_15 = arith.constant 0 : index
    %get3A_16 = arith.constant 0 : index
    %get3A_17 = vector.load %arg7[%get3A_15, %get3A_16] : memref<5x32xf32, #tpu.memory_space<vmem>>, vector<5x32xf32>
    %slice3A = vector.extract_strided_slice %get3A_17 {offsets = [0, 0], sizes = [1, 32], strides = [1, 1]} : vector<5x32xf32> to vector<1x32xf32>
    %add3A = vector.broadcast %slice3A : vector<1x32xf32> to vector<4096x32xf32>
    %add3A_18 = arith.addf %dot_general3A_14, %add3A : vector<4096x32xf32>
    %slice3A_19 = vector.extract_strided_slice %get3A_17 {offsets = [1, 0], sizes = [1, 32], strides = [1, 1]} : vector<5x32xf32> to vector<1x32xf32>
    %sub3A_20 = vector.broadcast %slice3A_19 : vector<1x32xf32> to vector<4096x32xf32>
    %sub3A_21 = arith.subf %add3A_18, %sub3A_20 : vector<4096x32xf32>
    %slice3A_22 = vector.extract_strided_slice %get3A_17 {offsets = [2, 0], sizes = [1, 32], strides = [1, 1]} : vector<5x32xf32> to vector<1x32xf32>
    %div3A = vector.broadcast %slice3A_22 : vector<1x32xf32> to vector<4096x32xf32>
    %div3A_23 = arith.divf %sub3A_21, %div3A : vector<4096x32xf32>
    %slice3A_24 = vector.extract_strided_slice %get3A_17 {offsets = [3, 0], sizes = [1, 32], strides = [1, 1]} : vector<5x32xf32> to vector<1x32xf32>
    %mul3A = vector.broadcast %slice3A_24 : vector<1x32xf32> to vector<4096x32xf32>
    %mul3A_25 = arith.mulf %div3A_23, %mul3A : vector<4096x32xf32>
    %slice3A_26 = vector.extract_strided_slice %get3A_17 {offsets = [4, 0], sizes = [1, 32], strides = [1, 1]} : vector<5x32xf32> to vector<1x32xf32>
    %add3A_27 = vector.broadcast %slice3A_26 : vector<1x32xf32> to vector<4096x32xf32>
    %add3A_28 = arith.addf %mul3A_25, %add3A_27 : vector<4096x32xf32>
    %max3A = arith.constant 0.000000e+00 : f32
    %max3A_29 = vector.broadcast %max3A : f32 to vector<4096x32xf32>
    %max3A_30 = arith.maximumf %add3A_28, %max3A_29 : vector<4096x32xf32>
    %convert_element_type3A_31 = arith.truncf %max3A_30 : vector<4096x32xf32> to vector<4096x32xbf16>
    %get3A_32 = arith.constant 0 : index
    %get3A_33 = arith.constant 0 : index
    %get3A_34 = vector.load %arg5[%get3A_32, %get3A_33] : memref<32x32xbf16, #tpu.memory_space<vmem>>, vector<32x32xbf16>
    %dot_general3A_35 = arith.constant dense<0.000000e+00> : vector<4096x32xf32>
    %dot_general3A_36 = tpu.matmul %convert_element_type3A_31, %get3A_34, %dot_general3A_35 {dimension_numbers = #tpu.dot_dimension_numbers<[1], [0], [0], [1], [0, 0, 1, 1], [], []>, transpose_lhs_hint = false} : vector<4096x32xbf16>, vector<32x32xbf16>, vector<4096x32xf32> -> vector<4096x32xf32>
    %get3A_37 = arith.constant 0 : index
    %get3A_38 = arith.constant 0 : index
    %get3A_39 = vector.load %arg8[%get3A_37, %get3A_38] : memref<5x32xf32, #tpu.memory_space<vmem>>, vector<5x32xf32>
    %slice3A_40 = vector.extract_strided_slice %get3A_39 {offsets = [0, 0], sizes = [1, 32], strides = [1, 1]} : vector<5x32xf32> to vector<1x32xf32>
    %add3A_41 = vector.broadcast %slice3A_40 : vector<1x32xf32> to vector<4096x32xf32>
    %add3A_42 = arith.addf %dot_general3A_36, %add3A_41 : vector<4096x32xf32>
    %slice3A_43 = vector.extract_strided_slice %get3A_39 {offsets = [1, 0], sizes = [1, 32], strides = [1, 1]} : vector<5x32xf32> to vector<1x32xf32>
    %sub3A_44 = vector.broadcast %slice3A_43 : vector<1x32xf32> to vector<4096x32xf32>
    %sub3A_45 = arith.subf %add3A_42, %sub3A_44 : vector<4096x32xf32>
    %slice3A_46 = vector.extract_strided_slice %get3A_39 {offsets = [2, 0], sizes = [1, 32], strides = [1, 1]} : vector<5x32xf32> to vector<1x32xf32>
    %div3A_47 = vector.broadcast %slice3A_46 : vector<1x32xf32> to vector<4096x32xf32>
    %div3A_48 = arith.divf %sub3A_45, %div3A_47 : vector<4096x32xf32>
    %slice3A_49 = vector.extract_strided_slice %get3A_39 {offsets = [3, 0], sizes = [1, 32], strides = [1, 1]} : vector<5x32xf32> to vector<1x32xf32>
    %mul3A_50 = vector.broadcast %slice3A_49 : vector<1x32xf32> to vector<4096x32xf32>
    %mul3A_51 = arith.mulf %div3A_48, %mul3A_50 : vector<4096x32xf32>
    %slice3A_52 = vector.extract_strided_slice %get3A_39 {offsets = [4, 0], sizes = [1, 32], strides = [1, 1]} : vector<5x32xf32> to vector<1x32xf32>
    %add3A_53 = vector.broadcast %slice3A_52 : vector<1x32xf32> to vector<4096x32xf32>
    %add3A_54 = arith.addf %mul3A_51, %add3A_53 : vector<4096x32xf32>
    %max3A_55 = arith.constant 0.000000e+00 : f32
    %max3A_56 = vector.broadcast %max3A_55 : f32 to vector<4096x32xf32>
    %max3A_57 = arith.maximumf %add3A_54, %max3A_56 : vector<4096x32xf32>
    %convert_element_type3A_58 = arith.truncf %max3A_57 : vector<4096x32xf32> to vector<4096x32xbf16>
    %get3A_59 = arith.constant 0 : index
    %get3A_60 = arith.constant 0 : index
    %get3A_61 = vector.load %arg6[%get3A_59, %get3A_60] : memref<32x64xbf16, #tpu.memory_space<vmem>>, vector<32x64xbf16>
    %dot_general3A_62 = arith.constant dense<0.000000e+00> : vector<4096x64xf32>
    %dot_general3A_63 = tpu.matmul %convert_element_type3A_58, %get3A_61, %dot_general3A_62 {dimension_numbers = #tpu.dot_dimension_numbers<[1], [0], [0], [1], [0, 0, 1, 1], [], []>, transpose_lhs_hint = false} : vector<4096x32xbf16>, vector<32x64xbf16>, vector<4096x64xf32> -> vector<4096x64xf32>
    %get3A_64 = arith.constant 0 : index
    %get3A_65 = arith.constant 0 : index
    %get3A_66 = vector.load %arg9[%get3A_64, %get3A_65] : memref<5x64xf32, #tpu.memory_space<vmem>>, vector<5x64xf32>
    %slice3A_67 = vector.extract_strided_slice %get3A_66 {offsets = [0, 0], sizes = [1, 64], strides = [1, 1]} : vector<5x64xf32> to vector<1x64xf32>
    %add3A_68 = vector.broadcast %slice3A_67 : vector<1x64xf32> to vector<4096x64xf32>
    %add3A_69 = arith.addf %dot_general3A_63, %add3A_68 : vector<4096x64xf32>
    %slice3A_70 = vector.extract_strided_slice %get3A_66 {offsets = [1, 0], sizes = [1, 64], strides = [1, 1]} : vector<5x64xf32> to vector<1x64xf32>
    %sub3A_71 = vector.broadcast %slice3A_70 : vector<1x64xf32> to vector<4096x64xf32>
    %sub3A_72 = arith.subf %add3A_69, %sub3A_71 : vector<4096x64xf32>
    %slice3A_73 = vector.extract_strided_slice %get3A_66 {offsets = [2, 0], sizes = [1, 64], strides = [1, 1]} : vector<5x64xf32> to vector<1x64xf32>
    %div3A_74 = vector.broadcast %slice3A_73 : vector<1x64xf32> to vector<4096x64xf32>
    %div3A_75 = arith.divf %sub3A_72, %div3A_74 : vector<4096x64xf32>
    %slice3A_76 = vector.extract_strided_slice %get3A_66 {offsets = [3, 0], sizes = [1, 64], strides = [1, 1]} : vector<5x64xf32> to vector<1x64xf32>
    %mul3A_77 = vector.broadcast %slice3A_76 : vector<1x64xf32> to vector<4096x64xf32>
    %mul3A_78 = arith.mulf %div3A_75, %mul3A_77 : vector<4096x64xf32>
    %slice3A_79 = vector.extract_strided_slice %get3A_66 {offsets = [4, 0], sizes = [1, 64], strides = [1, 1]} : vector<5x64xf32> to vector<1x64xf32>
    %add3A_80 = vector.broadcast %slice3A_79 : vector<1x64xf32> to vector<4096x64xf32>
    %add3A_81 = arith.addf %mul3A_78, %add3A_80 : vector<4096x64xf32>
    %max3A_82 = arith.constant 0.000000e+00 : f32
    %max3A_83 = vector.broadcast %max3A_82 : f32 to vector<4096x64xf32>
    %max3A_84 = arith.maximumf %add3A_81, %max3A_83 : vector<4096x64xf32>
    %reshape3A_85 = vector.shape_cast %max3A_84 : vector<4096x64xf32> to vector<128x32x64xf32>
    %reduce_max3A = arith.constant dense<0xFF800000> : vector<128x64xf32>
    %reduce_max3A_86 = vector.multi_reduction <maximumf>, %reshape3A_85, %reduce_max3A [1] : vector<128x32x64xf32> to vector<128x64xf32>
    %swap3A = arith.constant 0 : index
    %swap3A_87 = arith.constant 0 : index
    %swap3A_88 = arith.constant 0 : index
    %swap3A_89 = vector.load %arg10[%swap3A, %swap3A_87, %swap3A_88] : memref<1x128x64xf32, #tpu.memory_space<vmem>>, vector<1x128x64xf32>
    %swap3A_90 = vector.shape_cast %swap3A_89 : vector<1x128x64xf32> to vector<128x64xf32>
    %swap3A_91 = vector.shape_cast %reduce_max3A_86 : vector<128x64xf32> to vector<1x128x64xf32>
    tpu.vector_store %arg10[%swap3A, %swap3A_87, %swap3A_88], %swap3A_91 {strides = array<i32>} : memref<1x128x64xf32, #tpu.memory_space<vmem>>, vector<1x128x64xf32>,
    return
  }
  func.func @transform_0(%arg0: i32, %arg1: i32) -> (i32, i32, i32, i32) {
    %c0_i32 = arith.constant 0 : i32
    %c0_i32_0 = arith.constant 0 : i32
    %c0_i32_1 = arith.constant 0 : i32
    return %arg0, %arg1, %c0_i32, %c0_i32_0 : i32, i32, i32, i32
  }
  func.func @transform_1(%arg0: i32, %arg1: i32) -> (i32, i32, i32) {
    %c0_i32 = arith.constant 0 : i32
    %c0_i32_0 = arith.constant 0 : i32
    return %arg0, %arg1, %c0_i32 : i32, i32, i32
  }
  func.func @transform_2(%arg0: i32, %arg1: i32) -> (i32, i32) {
    %c0_i32 = arith.constant 0 : i32
    %c0_i32_0 = arith.constant 0 : i32
    %c0_i32_1 = arith.constant 0 : i32
    return %c0_i32, %c0_i32_0 : i32, i32
  }
  func.func @transform_3(%arg0: i32, %arg1: i32) -> (i32, i32) {
    %c0_i32 = arith.constant 0 : i32
    %c0_i32_0 = arith.constant 0 : i32
    %c0_i32_1 = arith.constant 0 : i32
    return %c0_i32, %c0_i32_0 : i32, i32
  }
  func.func @transform_4(%arg0: i32, %arg1: i32) -> (i32, i32) {
    %c0_i32 = arith.constant 0 : i32
    %c0_i32_0 = arith.constant 0 : i32
    %c0_i32_1 = arith.constant 0 : i32
    return %c0_i32, %c0_i32_0 : i32, i32
  }
  func.func @transform_5(%arg0: i32, %arg1: i32) -> (i32, i32) {
    %c0_i32 = arith.constant 0 : i32
    %c0_i32_0 = arith.constant 0 : i32
    %c0_i32_1 = arith.constant 0 : i32
    return %c0_i32, %c0_i32_0 : i32, i32
  }
  func.func @transform_6(%arg0: i32, %arg1: i32) -> (i32, i32) {
    %c0_i32 = arith.constant 0 : i32
    %c0_i32_0 = arith.constant 0 : i32
    %c0_i32_1 = arith.constant 0 : i32
    return %c0_i32, %c0_i32_0 : i32, i32
  }
  func.func @transform_7(%arg0: i32, %arg1: i32) -> (i32, i32) {
    %c0_i32 = arith.constant 0 : i32
    %c0_i32_0 = arith.constant 0 : i32
    %c0_i32_1 = arith.constant 0 : i32
    return %c0_i32, %c0_i32_0 : i32, i32
  }
  func.func @transform_8(%arg0: i32, %arg1: i32) -> (i32, i32, i32) {
    %c0_i32 = arith.constant 0 : i32
    %c0_i32_0 = arith.constant 0 : i32
    return %arg0, %arg1, %c0_i32 : i32, i32, i32
  }
}

</mosaic_0001>

<sc_bundles>
// kernel: kernel.5.cloned.1.call-start
scs
__scs_entry_jumppad:
0x0: {  	(pc) =	sbr.rel $0x88, $3  }
0x1: {  	(tag) =	ssettag $0x0;
	lr =	simm.s32 $0x1  }
0x2: {  	[smem:$0x3F8D] =	sst lr;
	_ =	strace $0xD0000000  }
0x3: {  	_ = 	snop  }
0x4: {  	_ = 	snop  }
0x5: {  	_ = 	snop  }
0x6: {  	_ = 	snop  }
0x7: {  	_ = 	snop  }
__scs_overlays_trampoline_lowered:
0x8: {  	[smem:$0x3F9C] =	sst s0  }
0x9: {  	[smem:$0x3F9D] =	sst s1  }
0xa: {  	[smem:$0x3F9E] =	sst s2  }
0xb: {  	[smem:$0x3F9F] =	sst s3  }
0xc: {  	[smem:$0x3FA0] =	sst s4  }
0xd: {  	[smem:$0x3FA1] =	sst s5  }
0xe: {  	[smem:$0x3FA2] =	sst s6  }
0xf: {  	[smem:$0x3FA3] =	sst s7  }
0x10: {  	[smem:$0x3FA4] =	sst s8  }
0x11: {  	[smem:$0x3FA5] =	sst s9;
	s0 =	simm.s32 @!p0 $0x0  }
0x12: {  	s1 =	sld [smem:$0x3F8B];
	s0 =	simm.s32 @p0 $0x1  }
0x13: {  	[smem:$0x3FA6] =	sst s0;
	s0 =	simm.s32 @!p1 $0x0  }
0x14: {  	s2 =	sld [smem:$0x3F8A];
	s0 =	simm.s32 @p1 $0x1  }
0x15: {  	[smem:$0x3FA7] =	sst s0;
	s0 =	simm.s32 @!p2 $0x0  }
0x16: {  	s3 =	sld [smem:$0x3FDB];
	s0 =	simm.s32 @p2 $0x1  }
0x17: {  	s4 =	simm.s32 $0x1BF5;
	[smem:$0x3FA9] =	sst s0  }
0x18: {  	s0 =	sld [smem:$0x3F8C];
	_ =	swait.ge [sflag:s4], $0x0  }
0x19: {  	s7 =	sld [smem:$0x3F8D]  }
0x1a: {  	s8 =	sadd.s32 $0xFFFFE003, lr  }
0x1b: {  	s9 =	sadd.s32 $0xFFFFFEF7, lr;
	s5 =	simm.s32 $0xFFFFFFFF;
	p2 =	slt.u32 s8, $0xFFFFF086  }
0x1c: {  	p1 =	slt.u32 s9, $0xF7A;
	s5 =	simm.s32 @!p2 $0x0  }
0x1d: {  	s5 =	simm.s32 @p1 $0x1;
	p0 =	seq.s32 s7, s2  }
0x1e: {  	s7 =	smul.u32 @!p0 $0xF7A, s2;
	p2 =	seq.s32 @!p0 s5, $0x0  }
0x1f: {  	s9 =	smul.u32 $0xF7A, s1;
	s8 =	simm.s32 @!p0 $0x1BF5;
	p2 =	por !p2, p0  }
0x20: {  	[sflag:s8] =	ssyncset.s32 @!p0 $0xFFFFF086;
	s6 =	sadd.s32 @!p0 s3, s7;
	s7 =	simm.s32 @!p0 $0x108  }
0x21: {  	s3 =	sadd.s32 s3, s9;
	s6 =	sadd.s32 @!p0 $0x88, s6;
	s7 =	simm.s32 @p2 $0x1082  }
0x22: {  	[simem:s7], [sflag:s8] =	dma.local @!p0 [hbm:s6], $0xF7A  }
0x23: {  	s9 =	sor.u32 $0xD0000000, s2;
	s6 =	simm.s32 $0x108;
	_ =	swait.ge @!p0 [sflag:s8], $0x0  }
0x24: {  	s3 =	sadd.s32 $0x88, s3;
	s6 =	simm.s32 @!p1 $0x1082;
	[sflag:s4] =	ssyncset.s32 $0xFFFFF086  }
0x25: {  	[simem:s6], [sflag:s4] =	dma.local [hbm:s3], $0xF7A  }
0x26: {  	[smem:$0x3F8D] =	sst s1;
	(tag) =	ssettag s2;
	_ =	strace s9  }
0x27: {  	s1 =	sld [smem:$0x3F9D]  }
0x28: {  	s2 =	sld [smem:$0x3F9E]  }
0x29: {  	s4 =	sld [smem:$0x3FA0]  }
0x2a: {  	p0 =	seq.s32 s5, $0x0;
	s5 =	sld [smem:$0x3FA1]  }
0x2b: {  	s6 =	sld [smem:$0x3FA2]  }
0x2c: {  	s7 =	sld [smem:$0x3FA3]  }
0x2d: {  	s3 =	simm.s32 $0x108;
	s8 =	sld [smem:$0x3FA4]  }
0x2e: {  	s3 =	simm.s32 @!p0 $0x1082;
	s9 =	sld [smem:$0x3FA5]  }
0x2f: {  	lr =	sadd.s32 s0, s3;
	s0 =	sld [smem:$0x3F9C]  }
0x30: {  	s3 =	sld [smem:$0x3F9F]  }
0x31: {  	[smem:$0x3FA8] =	sst s10  }
0x32: {  	s10 =	sld [smem:$0x3FA6];
	_ =	sdelay $0x3  }
0x33: {  	p0 =	seq.s32 s10, $0x1;
	s10 =	sld [smem:$0x3FA8];
	_ =	sdelay $0x3  }
0x34: {  	[smem:$0x3FA8] =	sst s10  }
0x35: {  	s10 =	sld [smem:$0x3FA7];
	_ =	sdelay $0x3  }
0x36: {  	p1 =	seq.s32 s10, $0x1;
	s10 =	sld [smem:$0x3FA8];
	_ =	sdelay $0x3  }
0x37: {  	[smem:$0x3FA8] =	sst s10  }
0x38: {  	s10 =	sld [smem:$0x3FA9]  }
0x39: {  	_ = 	snop;
	(pc) =	sbr.ind lr, $3  }
0x3a: {  	_ = 	snop  }
0x3b: {  	_ = 	snop  }
0x3c: {  	p2 =	seq.s32 s10, $0x1;
	s10 =	sld [smem:$0x3FA8]  }
0x3d: {  	_ =	shalt  }
0x3e: {  	_ =	shalt  }
0x3f: {  	_ =	shalt  }
0x40: {  	_ =	shalt  }
0x41: {  	_ =	shalt  }
0x42: {  	_ =	shalt  }
0x43: {  	_ =	shalt  }
0x44: {  	_ =	shalt  }
0x45: {  	_ =	shalt  }
0x46: {  	_ =	shalt  }
0x47: {  	_ =	shalt  }
0x48: {  	_ =	shalt  }
0x49: {  	_ =	shalt  }
0x4a: {  	_ =	shalt  }
0x4b: {  	_ =	shalt  }
0x4c: {  	_ =	shalt  }
0x4d: {  	_ =	shalt  }
0x4e: {  	_ =	shalt  }
0x4f: {  	_ =	shalt  }
0x50: {  	_ =	shalt  }
0x51: {  	_ =	shalt  }
0x52: {  	_ =	shalt  }
0x53: {  	_ =	shalt  }
0x54: {  	_ =	shalt  }
0x55: {  	_ =	shalt  }
0x56: {  	_ =	shalt  }
0x57: {  	_ =	shalt  }
0x58: {  	_ =	shalt  }
0x59: {  	_ =	shalt  }
0x5a: {  	_ =	shalt  }
0x5b: {  	_ =	shalt  }
0x5c: {  	_ =	shalt  }
0x5d: {  	_ =	shalt  }
0x5e: {  	_ =	shalt  }
0x5f: {  	_ =	shalt  }
0x60: {  	_ =	shalt  }
0x61: {  	_ =	shalt  }
0x62: {  	_ =	shalt  }
0x63: {  	_ =	shalt  }
0x64: {  	_ =	shalt  }
0x65: {  	_ =	shalt  }
0x66: {  	_ =	shalt  }
0x67: {  	_ =	shalt  }
0x68: {  	_ =	shalt  }
0x69: {  	_ =	shalt  }
0x6a: {  	_ =	shalt  }
0x6b: {  	_ =	shalt  }
0x6c: {  	_ =	shalt  }
0x6d: {  	_ =	shalt  }
0x6e: {  	_ =	shalt  }
0x6f: {  	_ =	shalt  }
0x70: {  	_ =	shalt  }
0x71: {  	_ =	shalt  }
0x72: {  	_ =	shalt  }
0x73: {  	_ =	shalt  }
0x74: {  	_ =	shalt  }
0x75: {  	_ =	shalt  }
0x76: {  	_ =	shalt  }
0x77: {  	_ =	shalt  }
0x78: {  	_ =	shalt  }
0x79: {  	_ =	shalt  }
0x7a: {  	_ =	shalt  }
0x7b: {  	_ =	shalt  }
0x7c: {  	_ =	shalt  }
0x7d: {  	_ =	shalt  }
0x7e: {  	_ =	shalt  }
0x7f: {  	_ =	shalt  }
0x80: {  	_ =	shalt  }
0x81: {  	_ =	shalt  }
0x82: {  	_ =	shalt  }
0x83: {  	_ =	shalt  }
0x84: {  	_ =	shalt  }
0x85: {  	_ =	shalt  }
0x86: {  	_ =	shalt  }
0x87: {  	_ =	shalt  }
.Lfunc_end0:
.L_simem_size_0:
called_computation_lowered:
.L_overlay_start_0:
0x88: {  	s2 =	sld [smem:$0x3FD9]  }
0x89: {  	s3 =	sld [smem:$0x3FFE];
	_ =	sdelay $0x1  }
0x8a: {  	s1 =	srdreg.scid  }
0x8b: {  	s0 =	sand.u32 $0x1, s1  }
0x8c: {  	s14 =	sshll.u32 s0, $0xA;
	s2 =	sadd.s32 s3, s2  }
0x8d: {  	s2 =	sadd.s32 s2, s14  }
0x8e: {  	[smem:$0x3FB4] =	sst s2  }
0x8f: {  	_ = 	snop  }
0x90: {  	s2 =	sld [smem:$0x3FD0];
	_ =	sdelay $0x2  }
0x91: {  	s15 =	simm.s32 $0xA;
	s4 =	simm.s32 $0x10  }
0x92: {  	[smem:s4], [sflag:s15] =	dma.local [hbm:s2], $0x1  }
0x93: {  	_ =	swait.eq [sflag:s15], $0x1  }
0x94: {  	[sflag:s15] =	ssyncset.done $0x0  }
0x95: {  	[sflag:s15] =	ssyncadd.s32 $0xFFFFFFFF  }
0x96: {  	s16 =	sld [smem:$0x11];
	(tm) =	ssettm $0x1  }
0x97: {  	s17 =	sld [smem:$0x3FFB];
	_ =	sdelay $0x3  }
0x98: {  	_ =	strace s17  }
0x99: {  	s3 =	sld [smem:$0x3FFC];
	_ =	sdelay $0x3  }
0x9a: {  	_ =	strace s3  }
0x9b: {  	s3 =	sld [smem:$0x3FFD];
	_ =	sdelay $0x3  }
0x9c: {  	_ =	strace s3  }
0x9d: {  	_ =	strace $0x8FFFFFFF  }
0x9e: {  	s18 =	sld [smem:$0x3FDB];
	_ =	sdelay $0x1  }
0x9f: {  	s19 =	simm.s32 $_scs_section_size  }
0xa0: {  	s5 =	simm.s32 $_size__tile_overlayer_lowered;
	s6 =	simm.s32 $_tile_overlayer_lowered  }
0xa1: {  	s22 =	simm.s32 $0x1BFF;
	s21 =	sshll.u32 s6, $0x1;
	s3 =	sadd.s32 s19, s18  }
0xa2: {  	s7 =	simm.s32 $0x0;
	s20 =	sshll.u32 s5, $0x1;
	s5 =	sadd.s32 s21, s3  }
0xa3: {  	[timem:s7], [sflag:s22] =	dma.local [hbm:s5], s20  }
0xa4: {  	_ =	swait.ge [sflag:s22], s20  }
0xa5: {  	s4 =	ssub.s32 $0x0, s20;
	[sflag:s22] =	ssyncset.done $0x0  }
0xa6: {  	[sflag:s22] =	ssyncadd.s32 s4;
	_ =	sdelay $0x1  }
0xa7: {  	s23 =	simm.s32 $0x1B8B  }
0xa8: {  	_ =	swait.ge [sflag:s23], $0x1  }
0xa9: {  	[sflag:s23] =	ssyncset.done $0x0  }
0xaa: {  	s25 =	simm.s32 $0x1B8E;
	s24 =	sld [smem:$0x3FFE];
	[sflag:s23] =	ssyncadd.s32 $0xFFFFFFFF  }
0xab: {  	s26 =	simm.s32 $execute0_lowered;
	[smem:$0x3FD2] =	sst s25  }
0xac: {  	s5 =	sshll.u32 s26, $0x1;
	_ =	strace $0x80000046;
	[dreg:$0x1] =	wrdreg $0xFFFFFFFF  }
0xad: {  	s28 =	simm.s32 $_size_execute0_lowered;
	s3 =	sadd.s32 s3, s5;
	[dreg:$0x0] =	wrdreg $0x0  }
0xae: {  	s5 =	sshll.u32 s28, $0x1;
	[dreg:$0x2] =	wrdreg s3  }
0xaf: {  	[dreg:$0x3] =	wrdreg s5  }
0xb0: {  	[dreg:$0x4] =	wrdreg $0xC0  }
0xb1: {  	_ =	task [dreg:s7], $0x5FFFF  }
0xb2: {  	[dreg:$0x1] =	wrdreg $0xFFFFFFFF  }
0xb3: {  	[dreg:$0x0] =	wrdreg $0x60  }
0xb4: {  	[dreg:$0x2] =	wrdreg s16  }
0xb5: {  	[dreg:$0x3] =	wrdreg s24  }
0xb6: {  	[dreg:$0x4] =	wrdreg $0x9  }
0xb7: {  	_ =	task.clear_ibuf [dreg:s7], $0x5FFFF;
	_ =	strace $0x90000046  }
0xb8: {  	s29 =	simm.s32 $0x9;
	_ =	strace $0x80000048  }
0xb9: {  	_ =	swait.ge [sflag:s29], $0x1  }
0xba: {  	[sflag:s29] =	ssyncadd.s32 $0xFFFFFFFF  }
0xbb: {  	_ =	strace $0x90000048  }
0xbc: {  	_ =	sfence  }
0xbd: {  	s30 =	sld [smem:$0x0];
	_ =	sdelay $0x2  }
0xbe: {  	s31 =	sshll.u32 s1, $0xD;
	s1 =	sshrl.u32 s1, $0x2  }
0xbf: {  	s3 =	sand.u32 $0x4000, s31;
	s1 =	sadd.s32 s1, s30  }
0xc0: {  	s0 =	sor.u32 s3, s0;
	s1 =	sshll.u32 s1, $0x11  }
0xc1: {  	s0 =	sor.u32 s1, s0  }
0xc2: {  	s0 =	sadd.s32 $0x8F2B, s0  }
0xc3: {  	[sflag:s0] =	ssyncadd.remote.s32 $0x1  }
0xc4: {  	_ =	sfence.sel $0xFFFF  }
0xc5: {  	[dreg:$0x0] =	wrdreg $0xFFFFFFFF;
	(pc) =	sbr.abs _section_cstart, $3  }
0xc6: {  	[dreg:$0x1] =	wrdreg $0xFFFFFFFF  }
0xc7: {  	_ =	task.clear_ibuf [dreg:s7], $0x2FFFF;
	_ =	strace $0x9FFFFFFF  }
0xc8: {  	(tm) =	ssettm $0x7FFFFFFF  }
0xc9: {  	_ =	shalt  }
tec
execute0_lowered:
.L_overlay_start_1:
0x0: {  	(tag) =	ssettag $0x1  }
0x1: {  	s3 =	stileid.u32;
	s0 =	rddreg [dreg:$0x0]  }
0x2: {  	s1 =	srdreg.scid;
	s4 =	rddreg [dreg:$0x1]  }
0x3: {  	s19 =	simm.s32 $0x8100;
	s20 =	simm.s32 $0x8200;
	s21 =	simm.s32 $0x8300  }
0x4: {  	s28 =	simm.s32 $0x0;
	s2 =	sshll.u32 s3, $0x1;
	s1 =	sand.u32 $0x1, s1  }
0x5: {  	s7 =	sshrl.u32 s3, $0x2;
	s10 =	sadd.s32 $0x2200, s4;
	s2 =	sand.u32 $0x6, s2  }
0x6: {  	s5 =	sshll.u32 s7, $0xA;
	s12 =	smul.u32 $0xC00, s7;
	s25 =	sshll.u32 s7, $0xD  }
0x7: {  	s22 =	sor.u32 s1, s2;
	s2 =	simm.s32 $0x0;
	s9 =	sadd.s32 s5, s4  }
0x8: {  	s1 =	ssub.s32 $0x2, s1;
	v1 =	vmov s25;
	s25 =	simm.s32 $0x1;
	s8 =	sshll.u32 s22, $0x7  }
0x9: {  	[smem:$0x7FF] =	sst s2;
	s24 =	sshrl.u32 s1, $0x1;
	s14 =	sadd.s32 $0x400, s12  }
0xa: {  	s15 =	sadd.s32 $0x800, s12;
	s7 =	sadd.s32 $0x2800, s9;
	s22 =	simm.s32 $0x8400  }
0xb: {  	s3 =	sor.u32 s5, s8;
	_ =	strace $0x80000047;
	s1 =	ssub.s32 s1, s24  }
0xc: {  	s5 =	sadd.s32 s0, s14;
	s26 =	sor.u32 s12, s8;
	s29 =	sor.u32 s14, s8  }
0xd: {  	s30 =	sor.u32 s15, s8;
	s14 =	simm.s32 $0x2;
	s24 =	simm.s32 $0x80  }
0xe: {  	s6 =	sshrl.u32 s3, $0x3;
	s23 =	sshll.u32 s3, $0x7;
	s3 =	sadd.s32 $0x3A00, s4  }
0xf: {  	s9 =	sshrl.u32 s26, $0x3;
	s31 =	sshrl.u32 s30, $0x3;
	s26 =	simm.s32 $0xD580  }
0x10: {  	v0 =	vlaneseq.u32;
	s11 =	sadd.s32 s6, s4;
	s13 =	sadd.s32 s23, s4;
	s4 =	sadd.s32 s0, s12  }
0x11: {  	v2 =	vimm.s32 $0x0;
	v3 =	vor.u32 $0x10, v0;
	s6 =	sadd.s32 s0, s15;
	s12 =	sshrl.u32 s29, $0x3;
	s8 =	sadd.s32 s10, s9  }
0x12: {  	v4 =	vor.u32 $0x20, v0;
	v5 =	vor.u32 $0x30, v0;
	v6 =	vor.u32 $0x40, v0;
	s23 =	simm.s32 $0x9500;
	s9 =	sadd.s32 s10, s12;
	s10 =	sadd.s32 s10, s31  }
0x13: {  	v7 =	vor.u32 $0x50, v0;
	v8 =	vor.u32 $0x60, v0;
	v9 =	vor.u32 $0x70, v0;
	s11 =	sadd.s32 $0x3800, s11;
	s12 =	sadd.s32 $0x23A00, s13;
	s13 =	smax.u32 s1, $0x1  }
.LBB2_1:
0x14: {  	[tilespmem:s2], [sflag:$0x2] =	stream.linear.gather [hbm4b:s4+s2], $0x2000, $0x38;
	[tilespmem:$0xE580] =	vst v63  }
0x15: {  	_ =	swait.ge [sflag:s14], $0x2000  }
0x16: {  	[sflag:s14] =	ssyncset.done $0x0  }
0x17: {  	s0 =	simm.s32 $0x2000;
	[sflag:s14] =	ssyncadd.s32 $0xFFFFE000  }
0x18: {  	[tilespmem:s0], [sflag:$0x2] =	stream.linear.gather [hbm4b:s5+s2], $0x2000, $0x38;
	[tilespmem:$0xE580] =	vst v63  }
0x19: {  	_ =	swait.ge [sflag:s14], $0x2000  }
0x1a: {  	[sflag:s14] =	ssyncset.done $0x0  }
0x1b: {  	s18 =	simm.s32 $0x4000;
	[sflag:s14] =	ssyncadd.s32 $0xFFFFE000  }
0x1c: {  	[tilespmem:s18], [sflag:$0x2] =	stream.linear.gather [hbm4b:s6+s2], $0x2000, $0x38;
	[tilespmem:$0xE580] =	vst v63  }
0x1d: {  	_ =	swait.ge [sflag:s14], $0x2000  }
0x1e: {  	[sflag:s14] =	ssyncset.done $0x0  }
0x1f: {  	s29 =	simm.s32 $0x6000;
	[sflag:s14] =	ssyncadd.s32 $0xFFFFE000  }
0x20: {  	[tilespmem:s29], [sflag:$0x2] =	stream.linear.gather [hbm4b:s7+s2], $0x2000, $0x38;
	[tilespmem:$0xE580] =	vst v63  }
0x21: {  	_ =	swait.ge [sflag:s14], $0x2000  }
0x22: {  	[sflag:s14] =	ssyncset.done $0x0  }
0x23: {  	s30 =	simm.s32 $0x8000;
	[sflag:s14] =	ssyncadd.s32 $0xFFFFE000  }
0x24: {  	[tilespmem:s30], [sflag:$0x2] =	stream.linear.gather [hbm4b:s8+s2], $0x80, $0x38;
	[tilespmem:$0xE580] =	vst v63  }
0x25: {  	_ =	swait.ge [sflag:s14], $0x80  }
0x26: {  	[sflag:s14] =	ssyncset.done $0x0  }
0x27: {  	[sflag:s14] =	ssyncadd.s32 $0xFFFFFF80  }
0x28: {  	[tilespmem:s19], [sflag:$0x2] =	stream.linear.gather [hbm4b:s9+s2], $0x80, $0x38;
	[tilespmem:$0xE580] =	vst v63  }
0x29: {  	_ =	swait.ge [sflag:s14], $0x80  }
0x2a: {  	[sflag:s14] =	ssyncset.done $0x0  }
0x2b: {  	[sflag:s14] =	ssyncadd.s32 $0xFFFFFF80  }
0x2c: {  	[tilespmem:s20], [sflag:$0x2] =	stream.linear.gather [hbm4b:s10+s2], $0x80, $0x38;
	[tilespmem:$0xE580] =	vst v63  }
0x2d: {  	_ =	swait.ge [sflag:s14], $0x80  }
0x2e: {  	[sflag:s14] =	ssyncset.done $0x0  }
0x2f: {  	[sflag:s14] =	ssyncadd.s32 $0xFFFFFF80  }
0x30: {  	[tilespmem:s21], [sflag:$0x2] =	stream.linear.gather [hbm4b:s11+s2], $0x80, $0x38;
	[tilespmem:$0xE580] =	vst v63  }
0x31: {  	_ =	swait.ge [sflag:s14], $0x80  }
0x32: {  	[sflag:s14] =	ssyncset.done $0x0  }
0x33: {  	s31 =	simm.s32 $0x0;
	[sflag:s14] =	ssyncadd.s32 $0xFFFFFF80  }
.LBB2_2:
0x34: {  	v10 =	vld.msk [tilespmem:s31+$0x8000 ss:$0x0], $0xffff  }
0x35: {  	v11 =	vld.msk [tilespmem:s31+$0x8100 ss:$0x0], $0xffff;
	s16 =	simm.s32 $0x0  }
0x36: {  	v12 =	vld.msk [tilespmem:s31+$0x8200 ss:$0x0], $0xffff;
	s29 =	simm.s32 $0x2010;
	s30 =	simm.s32 $0x4010;
	s1 =	simm.s32 $0x6010  }
0x37: {  	v13 =	vld.msk [tilespmem:s31+$0x8300 ss:$0x0], $0xffff;
	s0 =	simm.s32 $0x10;
	s15 =	simm.s32 $0x0;
	s17 =	simm.s32 $0x0  }
.LBB2_3:
0x38: {  	v14 =	vld [tilespmem:s0+$0xFFFFFFF0]  }
0x39: {  	v15 =	vld [tilespmem:s29+$0xFFFFFFF0]  }
0x3a: {  	v16 =	vld [tilespmem:s30+$0xFFFFFFF0];
	_ =	sdelay $0x3  }
0x3b: {  	v14 =	vmul.f32 v14, v10  }
0x3c: {  	v15 =	vmul.f32 v15, v11;
	v16 =	vmul.f32 v16, v12  }
0x3d: {  	v14 =	vmul.f32 $5.368709120e+08, v14  }
0x3e: {  	v15 =	vmul.f32 $5.368709120e+08, v15;
	v16 =	vmul.f32 $5.368709120e+08, v16  }
0x3f: {  	v14 =	vtrunc.f32 v14  }
0x40: {  	v15 =	vtrunc.f32 v15;
	v16 =	vtrunc.f32 v16  }
0x41: {  	v14 =	vcvt.f32.s32 v14;
	v15 =	vcvt.f32.s32 v15  }
0x42: {  	v16 =	vcvt.f32.s32 v16  }
0x43: {  	v14 =	vadd.s32 v14, v15  }
0x44: {  	v15 =	vld [tilespmem:s1+$0xFFFFFFF0];
	v14 =	vadd.s32 v16, v14  }
0x45: {  	v14 =	vcvt.s32.f32 v14;
	_ =	sdelay $0x1  }
0x46: {  	v14 =	vmul.f32 $1.862645150e-09, v14;
	_ =	sdelay $0x1  }
0x47: {  	v15 =	vadd.f32 v15, v13;
	v14 =	vadd.f32 v14, v14;
	_ =	sdelay $0x1  }
0x48: {  	v14 =	vsub.f32 v15, v14;
	_ =	sdelay $0x1  }
0x49: {  	vm0 =	vgt.f32 v14, $3.999999910e-02  }
0x4a: {  	vm0 =	vmneg vm0  }
0x4b: {  	v14 =	vsel vm0, $0x1, v2  }
0x4c: {  	(xrf0) =	vadd.scan.msk.s32 $0xffff, v14;
	_ =	sdelay $0x2  }
0x4d: {  	v14 =	vmov s17  }
0x4e: {  	v14 =	vadd.s32 $0xFFFFFFFF, v14  }
0x4f: {  	v14 =	vbroadcast v14, $0x0  }
0x50: {  	v15, _, _ =	vpop (xrf0)  }
0x51: {  	v14 =	vadd.s32 v15, v14  }
0x52: {  	vm1 =	vlt.s32 v14, $0x7F  }
0x53: {  	v14 =	vnsel vm1, $0x7F, v14;
	_ =	sdelay $0x3  }
0x54: {  	v15 =	vor.u32 s15, v0  }
0x55: {  	[tilespmem:v14+s22+$0x0] =	vst.idx.msk vm0, v15  }
0x56: {  	v14 =	vld [tilespmem:s0+$0x0]  }
0x57: {  	v15 =	vld [tilespmem:s29+$0x0]  }
0x58: {  	v62 =	vld [tilespmem:s30+$0x0];
	_ =	sdelay $0x3  }
0x59: {  	v14 =	vmul.f32 v14, v10  }
0x5a: {  	v15 =	vmul.f32 v15, v11;
	v16 =	vmul.f32 v62, v12  }
0x5b: {  	v14 =	vmul.f32 $5.368709120e+08, v14  }
0x5c: {  	v15 =	vmul.f32 $5.368709120e+08, v15;
	v16 =	vmul.f32 $5.368709120e+08, v16  }
0x5d: {  	v14 =	vtrunc.f32 v14  }
0x5e: {  	v15 =	vtrunc.f32 v15;
	v16 =	vtrunc.f32 v16  }
0x5f: {  	v14 =	vcvt.f32.s32 v14;
	v15 =	vcvt.f32.s32 v15  }
0x60: {  	v16 =	vcvt.f32.s32 v16  }
0x61: {  	v14 =	vadd.s32 v14, v15  }
0x62: {  	v15 =	vld [tilespmem:s1+$0x0];
	v14 =	vadd.s32 v16, v14  }
0x63: {  	v14 =	vcvt.s32.f32 v14;
	_ =	sdelay $0x1  }
0x64: {  	v14 =	vmul.f32 $1.862645150e-09, v14;
	_ =	sdelay $0x1  }
0x65: {  	v15 =	vadd.f32 v15, v13;
	v14 =	vadd.f32 v14, v14  }
0x66: {  	v63 =	vmpcnt.ones.xlane vm0  }
0x67: {  	v14 =	vsub.f32 v15, v14  }
0x68: {  	(v2sf) =	vpush v63, $0x0  }
0x69: {  	vm14 =	vgt.f32 v14, $3.999999910e-02  }
0x6a: {  	vm0 =	vmneg vm14  }
0x6b: {  	v14 =	vmpcnt.ones.xlane vm0;
	_ =	sdelay $0x1  }
0x6c: {  	(v2sf) =	vpush v14, $0x0;
	_ =	sdelay $0x7  }
0x6d: {  	v14 =	vsel vm0, $0x1, v2  }
0x6e: {  	(xrf0) =	vadd.scan.msk.s32 $0xffff, v14  }
0x6f: {  	s18 =	spop (v2sf)  }
0x70: {  	s17 =	sadd.s32 s17, s18  }
0x71: {  	v14 =	vmov s17  }
0x72: {  	v14 =	vadd.s32 $0xFFFFFFFF, v14  }
0x73: {  	v14 =	vbroadcast v14, $0x0  }
0x74: {  	v15, _, _ =	vpop (xrf0);
	s18 =	spop (v2sf)  }
0x75: {  	p0 =	sgt.u32 s16, $0xFE;
	v14 =	vadd.s32 v15, v14;
	s17 =	sadd.s32 s17, s18  }
0x76: {  	vm15 =	vlt.s32 v14, $0x7F;
	p1 =	slt.s32 @!p0 s17, $0x20  }
0x77: {  	v14 =	vnsel vm15, $0x7F, v14;
	p0 =	por p0, !p1  }
.Ltmp0:
0x78: {  	_ = 	snop;
	(pc) =	sbr.rel @!p0 .LBB2_3-.Ltmp0, $4  }
0x79: {  	_ = 	snop  }
0x7a: {  	s18 =	sadd.s32 $0x10, s15  }
0x7b: {  	s16 =	sadd.s32 $0x1, s16;
	s29 =	sadd.s32 $0x20, s29;
	s30 =	sadd.s32 $0x20, s30;
	v15 =	vor.u32 s18, v0  }
0x7c: {  	s0 =	sadd.s32 $0x20, s0;
	s1 =	sadd.s32 $0x20, s1;
	s15 =	sadd.s32 $0x20, s15;
	[tilespmem:v14+s22+$0x0] =	vst.idx.msk vm0, v15  }
0x7d: {  	v10 =	vld [tilespmem:$0x8400];
	_ =	sdelay $0x2  }
0x7e: {  	s0 =	sshll.u32 s31, $0x5  }
0x7f: {  	v11 =	vor.u32 s0, v0  }
0x80: {  	v12 =	vmov s17;
	v13 =	vbroadcast v10, $0x0  }
0x81: {  	vm0 =	vgt.s32 v12, v0  }
0x82: {  	v10 =	vsel vm0, v10, v13  }
0x83: {  	s29 =	simm.s32 $0x8480;
	v10 =	vadd.s32 v1, v10  }
0x84: {  	[tilespmem:v11+s29+$0x0] =	vst.idx.msk $0xffff, v10  }
0x85: {  	v10 =	vld [tilespmem:$0x8410]  }
0x86: {  	s31 =	sadd.s32 $0x1, s31;
	s0 =	sor.u32 $0x10, s0  }
0x87: {  	p0 =	sne.s32 s31, $0x80;
	v11 =	vor.u32 s0, v0  }
.Ltmp1:
0x88: {  	_ = 	snop;
	(pc) =	sbr.rel @p0 .LBB2_2-.Ltmp1, $4  }
0x89: {  	vm15 =	vgt.s32 v12, v3  }
0x8a: {  	v10 =	vsel vm15, v10, v13  }
0x8b: {  	v10 =	vadd.s32 v1, v10  }
0x8c: {  	s30 =	simm.s32 $0x0;
	[tilespmem:v11+s29+$0x0] =	vst.idx.msk $0xffff, v10  }
.LBB2_5:
0x8d: {  	s31 =	sshll.u32 s30, $0x9  }
0x8e: {  	s0 =	sshrl.u32 s31, $0x2  }
0x8f: {  	v10 =	vld [tilespmem:s0+$0x8480];
	_ =	sdelay $0x4  }
0x90: {  	v11 =	vshra.s32 v10, $0x1F;
	v12 =	vand.u32 $0x3, v10  }
0x91: {  	vm0 =	vlt.s32 v10, $0x1;
	v11 =	vshrl.u32 v11, $0x1E;
	vm1 =	vne.s32 v12, $0x0  }
0x92: {  	v10 =	vadd.s32 v11, v10;
	vm0 =	vmand vm0, vm1  }
0x93: {  	v10 =	vshra.s32 v10, $0x2;
	v11 =	vsel vm0, $0xFFFFFFFF, v2  }
0x94: {  	v10 =	vadd.s32 v11, v10  }
0x95: {  	[tilespmem:v0+s23+$0x0] =	vst.idx.msk $0xffff, v10  }
0x96: {  	v10 =	vld [tilespmem:s0+$0x8490];
	_ =	sdelay $0x4  }
0x97: {  	v11 =	vshra.s32 v10, $0x1F;
	v57 =	vand.u32 $0x3, v10  }
0x98: {  	vm14 =	vlt.s32 v10, $0x1;
	v11 =	vshrl.u32 v11, $0x1E;
	vm15 =	vne.s32 v57, $0x0  }
0x99: {  	v10 =	vadd.s32 v11, v10;
	vm0 =	vmand vm14, vm15  }
0x9a: {  	v10 =	vshra.s32 v10, $0x2;
	v11 =	vsel vm0, $0xFFFFFFFF, v2  }
0x9b: {  	v10 =	vadd.s32 v11, v10  }
0x9c: {  	[tilespmem:v3+s23+$0x0] =	vst.idx.msk $0xffff, v10  }
0x9d: {  	v10 =	vld [tilespmem:s0+$0x84A0];
	_ =	sdelay $0x4  }
0x9e: {  	v11 =	vshra.s32 v10, $0x1F;
	v58 =	vand.u32 $0x3, v10  }
0x9f: {  	vm4 =	vlt.s32 v10, $0x1;
	v11 =	vshrl.u32 v11, $0x1E;
	vm5 =	vne.s32 v58, $0x0  }
0xa0: {  	v10 =	vadd.s32 v11, v10;
	vm0 =	vmand vm4, vm5  }
0xa1: {  	v10 =	vshra.s32 v10, $0x2;
	v11 =	vsel vm0, $0xFFFFFFFF, v2  }
0xa2: {  	v10 =	vadd.s32 v11, v10  }
0xa3: {  	[tilespmem:v4+s23+$0x0] =	vst.idx.msk $0xffff, v10  }
0xa4: {  	v10 =	vld [tilespmem:s0+$0x84B0];
	_ =	sdelay $0x4  }
0xa5: {  	v11 =	vshra.s32 v10, $0x1F;
	v59 =	vand.u32 $0x3, v10  }
0xa6: {  	vm6 =	vlt.s32 v10, $0x1;
	v11 =	vshrl.u32 v11, $0x1E;
	vm7 =	vne.s32 v59, $0x0  }
0xa7: {  	v10 =	vadd.s32 v11, v10;
	vm0 =	vmand vm6, vm7  }
0xa8: {  	v10 =	vshra.s32 v10, $0x2;
	v11 =	vsel vm0, $0xFFFFFFFF, v2  }
0xa9: {  	v10 =	vadd.s32 v11, v10  }
0xaa: {  	[tilespmem:v5+s23+$0x0] =	vst.idx.msk $0xffff, v10  }
0xab: {  	v10 =	vld [tilespmem:s0+$0x84C0];
	_ =	sdelay $0x4  }
0xac: {  	v11 =	vshra.s32 v10, $0x1F;
	v60 =	vand.u32 $0x3, v10  }
0xad: {  	vm8 =	vlt.s32 v10, $0x1;
	v11 =	vshrl.u32 v11, $0x1E;
	vm9 =	vne.s32 v60, $0x0  }
0xae: {  	v10 =	vadd.s32 v11, v10;
	vm0 =	vmand vm8, vm9  }
0xaf: {  	v10 =	vshra.s32 v10, $0x2;
	v11 =	vsel vm0, $0xFFFFFFFF, v2  }
0xb0: {  	v10 =	vadd.s32 v11, v10  }
0xb1: {  	[tilespmem:v6+s23+$0x0] =	vst.idx.msk $0xffff, v10  }
0xb2: {  	v10 =	vld [tilespmem:s0+$0x84D0];
	_ =	sdelay $0x4  }
0xb3: {  	v11 =	vshra.s32 v10, $0x1F;
	v61 =	vand.u32 $0x3, v10  }
0xb4: {  	vm10 =	vlt.s32 v10, $0x1;
	v11 =	vshrl.u32 v11, $0x1E;
	vm11 =	vne.s32 v61, $0x0  }
0xb5: {  	v10 =	vadd.s32 v11, v10;
	vm0 =	vmand vm10, vm11  }
0xb6: {  	v10 =	vshra.s32 v10, $0x2;
	v11 =	vsel vm0, $0xFFFFFFFF, v2  }
0xb7: {  	v10 =	vadd.s32 v11, v10  }
0xb8: {  	[tilespmem:v7+s23+$0x0] =	vst.idx.msk $0xffff, v10  }
0xb9: {  	v10 =	vld [tilespmem:s0+$0x84E0];
	_ =	sdelay $0x4  }
0xba: {  	v11 =	vshra.s32 v10, $0x1F;
	v62 =	vand.u32 $0x3, v10  }
0xbb: {  	vm12 =	vlt.s32 v10, $0x1;
	v11 =	vshrl.u32 v11, $0x1E;
	vm13 =	vne.s32 v62, $0x0  }
0xbc: {  	v10 =	vadd.s32 v11, v10;
	vm0 =	vmand vm12, vm13  }
0xbd: {  	v10 =	vshra.s32 v10, $0x2;
	v11 =	vsel vm0, $0xFFFFFFFF, v2  }
0xbe: {  	v10 =	vadd.s32 v11, v10  }
0xbf: {  	[tilespmem:v8+s23+$0x0] =	vst.idx.msk $0xffff, v10  }
0xc0: {  	v10 =	vld [tilespmem:s0+$0x84F0];
	_ =	sdelay $0x4  }
0xc1: {  	v11 =	vshra.s32 v10, $0x1F;
	v63 =	vand.u32 $0x3, v10  }
0xc2: {  	vm15 =	vlt.s32 v10, $0x1;
	vm14 =	vne.s32 v63, $0x0;
	v11 =	vshrl.u32 v11, $0x1E  }
0xc3: {  	v10 =	vadd.s32 v11, v10;
	vm0 =	vmand vm15, vm14  }
0xc4: {  	v10 =	vshra.s32 v10, $0x2;
	v11 =	vsel vm0, $0xFFFFFFFF, v2  }
0xc5: {  	v10 =	vadd.s32 v11, v10  }
0xc6: {  	s0 =	simm.s32 $0x9580;
	[tilespmem:v9+s23+$0x0] =	vst.idx.msk $0xffff, v10;
	v10 =	vmov s29  }
0xc7: {  	[tilespmem:s0], [sflag:$0x1] =	stream.indirect.gather [hbm4b:s3+s24], $0x80, s23, s24, $0xb8;
	[tilespmem:$0xE580] =	vst v63  }
0xc8: {  	_ =	swait.ge [sflag:s25], $0x4000  }
0xc9: {  	[sflag:s25] =	ssyncset.done $0x0  }
0xca: {  	s1 =	simm.s32 $0x0;
	[sflag:s25] =	ssyncadd.s32 $0xFFFFC000  }
0xcb: {  	v11 =	vld.idx.msk [tilespmem:v10+s1+$0x0 ss:$0x1], $0xffff;
	_ =	sdelay $0x4  }
0xcc: {  	(v2sf) =	vpush v11, $0x0;
	_ =	sdelay $0xe  }
0xcd: {  	s18 =	spop (v2sf)  }
0xce: {  	s1 =	sand.u32 $0x3, s18  }
0xcf: {  	s1 =	sshll.u32 s1, $0x5  }
0xd0: {  	s15 =	sadd.s32 $0x9580, s1  }
0xd1: {  	v11 =	vld [tilespmem:s15+$0x0];
	_ =	sdelay $0x3  }
0xd2: {  	s1 =	simm.s32 $0xD590  }
0xd3: {  	[tilespmem:s1+$0xFFFFFFF0] =	vst v11  }
0xd4: {  	v11 =	vld [tilespmem:s15+$0x10];
	_ =	sdelay $0x4  }
0xd5: {  	s16 =	simm.s32 $0x1;
	s15 =	simm.s32 $0x8;
	[tilespmem:s1+$0x0] =	vst v11  }
.LBB2_6:
0xd6: {  	p0 =	sne.s32 s15, $0x1FC;
	v11 =	vld.idx.msk [tilespmem:v10+s16+$0x0 ss:$0x1], $0xffff;
	_ =	sdelay $0x5  }
0xd7: {  	(v2sf) =	vpush v11, $0x0;
	_ =	sdelay $0xe  }
0xd8: {  	s16 =	spop (v2sf)  }
0xd9: {  	s16 =	sand.u32 $0x3, s16  }
0xda: {  	s0 =	sadd.s32 $0x80, s0;
	s16 =	sshll.u32 s16, $0x5  }
0xdb: {  	s16 =	sadd.s32 s16, s0  }
0xdc: {  	v11 =	vld [tilespmem:s16+$0x0];
	_ =	sdelay $0x3  }
0xdd: {  	s1 =	sadd.s32 $0x20, s1  }
0xde: {  	[tilespmem:s1+$0xFFFFFFF0] =	vst v11  }
0xdf: {  	v11 =	vld [tilespmem:s16+$0x10]  }
.Ltmp2:
0xe0: {  	(pc) =	sbr.rel @p0 .LBB2_6-.Ltmp2, $2  }
0xe1: {  	_ =	sdelay $0x2  }
0xe2: {  	s16 =	sshra.s32 s15, $0x2;
	s15 =	sadd.s32 $0x4, s15;
	[tilespmem:s1+$0x0] =	vst v11  }
0xe3: {  	_ =	sdelay $0x3  }
0xe4: {  	v10 =	vld.idx.msk [tilespmem:v10+s16+$0x0 ss:$0x1], $0xffff;
	_ =	sdelay $0x4  }
0xe5: {  	(v2sf) =	vpush v10, $0x0;
	_ =	sdelay $0xe  }
0xe6: {  	s15 =	spop (v2sf)  }
0xe7: {  	s15 =	sand.u32 $0x3, s15  }
0xe8: {  	s0 =	sadd.s32 $0x80, s0;
	s15 =	sshll.u32 s15, $0x5  }
0xe9: {  	s0 =	sadd.s32 s15, s0  }
0xea: {  	v10 =	vld [tilespmem:s0+$0x0];
	_ =	sdelay $0x3  }
0xeb: {  	s1 =	sadd.s32 $0x20, s1  }
0xec: {  	[tilespmem:s1+$0xFFFFFFF0] =	vst v10  }
0xed: {  	v10 =	vld [tilespmem:s0+$0x10];
	_ =	sdelay $0x2  }
0xee: {  	s30 =	sadd.s32 $0x1, s30  }
0xef: {  	p0 =	sne.s32 s30, $0x20  }
.Ltmp3:
0xf0: {  	s31 =	sadd.s32 s31, s12;
	[tilespmem:s1+$0x0] =	vst v10;
	(pc) =	sbr.rel @p0 .LBB2_5-.Ltmp3, $4  }
0xf1: {  	[hbm4b:s31+s2] =	stream.linear.scatter [tilespmem:s26], [sflag:$0x2], $0x1000, $0x38;
	[tilespmem:$0xE580] =	vst v63  }
0xf2: {  	_ =	swait.ge [sflag:s14], $0x1000  }
0xf3: {  	[sflag:s14] =	ssyncset.done $0x0  }
0xf4: {  	s29 =	sadd.s32 $0x80, s29;
	[sflag:s14] =	ssyncadd.s32 $0xFFFFF000  }
0xf5: {  	s28 =	sadd.s32 $0x1, s28  }
0xf6: {  	p0 =	sne.s32 s28, s13  }
.Ltmp4:
0xf7: {  	_ = 	snop;
	(pc) =	sbr.rel @p0 .LBB2_1-.Ltmp4, $1  }
0xf8: {  	_ =	sdelay $0x3  }
0xf9: {  	_ =	sfence.sel $0x180000  }
0xfa: {  	[bflag:$0x0] =	sbarrier.arrive $0xFFFF  }
0xfb: {  	_ =	strace $0x90000047  }
0xfc: {  	s0 =	stileid.u32;
	[bflag:$0x2] =	sbarrier.arrive $0xFFFF  }
0xfd: {  	p0 =	sne.s32 s0, $0x0;
	s0 =	rddreg [dreg:$0x2]  }
0xfe: {  	s0 =	sadd.s32 @!p0 $0x100000, s0  }
0xff: {  	[sflag:s0] =	ssyncadd.tile.s32 @!p0 $0x1;
	_ =	shalt  }
.Lfunc_end2:
_tile_overlayer_lowered:
.L_overlay_start_2:
0x100: {  	(tag) =	ssettag $0x2  }
0x101: {  	s0 =	rddreg [dreg:$0x0];
	s2 =	stileid.u32  }
0x102: {  	s1 =	rddreg [dreg:$0x1];
	p0 =	sne.s32 s2, $0x0  }
0x103: {  	s3 =	rddreg [dreg:$0x2];
	[bflag:$0x3] =	sbarrier.arrive $0xFFFF;
	s2 =	simm.s32 @!p0 $0x1C02  }
0x104: {  	[timem:s3], [sflag:s2] =	dma.local @!p0 [hbm:s0], s1  }
0x105: {  	s0 =	simm.s32 @!p0 $0x2  }
0x106: {  	_ =	swait.ge @!p0 [sflag:s0], s1  }
0x107: {  	s1 =	ssub.s32 @!p0 $0x0, s1;
	[sflag:s0] =	ssyncset.done @!p0 $0x0  }
0x108: {  	[sflag:s0] =	ssyncadd.s32 @!p0 s1  }
0x109: {  	[bflag:$0x3] =	sbarrier.arrive $0xFFFF  }
0x10a: {  	_ =	shalt  }

</sc_bundles>
